<compile_context>
chip_gen: v7x
topology: tpu7x:2x2x1
jax: 0.10.2.dev20260603
libtpu: 0.0.44.dev20260713+nightly
codegen_flags: <defaults>
</compile_context>

<pallas_src>
import functools

import jax
import jax.numpy as jnp
import numpy as np
from jax import lax
from jax.experimental import pallas as pl
from jax.experimental.pallas import tpu as pltpu
from jax.experimental.pallas import tpu_sc as plsc

_N = 100000
_D = 128
_NUM_REMASK = 50000



def _rotl(x, d):
    return ((x << np.uint32(d)) | (x >> np.uint32(32 - d))).astype(np.uint32)


def _threefry2x32(k1, k2, x0, x1):
    rots = [[13, 15, 26, 6], [17, 29, 16, 24]]
    ks0, ks1 = np.uint32(k1), np.uint32(k2)
    ks2 = np.uint32(ks0 ^ ks1 ^ np.uint32(0x1BD11BDA))
    x0 = (x0 + ks0).astype(np.uint32)
    x1 = (x1 + ks1).astype(np.uint32)
    pairs = [(ks1, ks2), (ks2, ks0), (ks0, ks1), (ks1, ks2), (ks2, ks0)]
    for g in range(5):
        for d in rots[g % 2]:
            x0 = (x0 + x1).astype(np.uint32)
            x1 = _rotl(x1, d)
            x1 = (x1 ^ x0).astype(np.uint32)
        a, b = pairs[g]
        x0 = (x0 + a).astype(np.uint32)
        x1 = (x1 + b + np.uint32(g + 1)).astype(np.uint32)
    return x0, x1


def _np_permutation(seed, n):
    x = np.arange(n, dtype=np.int32)
    num_rounds = int(np.ceil(3 * np.log(max(1, n)) / np.log(2**32 - 1)))
    key = (np.uint32((seed >> 32) & 0xFFFFFFFF), np.uint32(seed & 0xFFFFFFFF))
    for _ in range(num_rounds):
        b1, b2 = _threefry2x32(*key, np.zeros(2, np.uint32), np.arange(2, dtype=np.uint32))
        key, subkey = (b1[0], b2[0]), (b1[1], b2[1])
        r1, r2 = _threefry2x32(*subkey, np.zeros(n, np.uint32), np.arange(n, dtype=np.uint32))
        x = x[np.argsort(r1 ^ r2, kind="stable")]
    return x


_PERM = _np_permutation(42, _N)
_REMASK_NP = _PERM[:_NUM_REMASK]
_REKEEP_NP = _PERM[_NUM_REMASK:]

_NC, _NS = 2, 16
_NW = _NC * _NS
_SLAB = 3128
_SLAB_LAST = _N - (_NW - 1) * _SLAB
_C = 112

_owner = np.minimum(_REMASK_NP // _SLAB, _NW - 1)
_buckets = [np.sort(_REMASK_NP[_owner == w]) for w in range(_NW)]
_PCH = max((len(b) + _C - 1) // _C for b in _buckets)
_PW = _PCH * _C


def _pad_bucket(b: np.ndarray) -> np.ndarray:
    return np.pad(b, (0, _PW - len(b)), mode="edge").astype(np.int32)


_RM_IDX = np.ascontiguousarray(
    np.stack([_pad_bucket(b) for b in _buckets]).reshape(_NW, _PCH, _C)
)

_MESH = plsc.VectorSubcoreMesh(
    core_axis_name="c", subcore_axis_name="s", num_cores=_NC, num_subcores=_NS
)


@functools.partial(
    pl.kernel,
    mesh=_MESH,
    out_type=jax.ShapeDtypeStruct((_N, _D), jnp.float32),
    scratch_types=[
        pltpu.VMEM((_PCH, _C), jnp.int32),
        pltpu.VMEM((_C,), jnp.int32),
        pltpu.VMEM((_C, _D), jnp.float32),
        pltpu.SemaphoreType.DMA,
        pltpu.SemaphoreType.DMA,
    ],
)
def _remask_sc(rep_hbm, tok_hbm, rm_hbm, out_hbm,
               rm_idx, zidx, tok_rows, sem_c, sem_t):
    wid = lax.axis_index("s") * _NC + lax.axis_index("c")
    base = pl.multiple_of(wid * _SLAB, 8)

    @pl.when(wid < _NW - 1)
    def _():
        pltpu.async_copy(
            rep_hbm.at[pl.ds(base, _SLAB)], out_hbm.at[pl.ds(base, _SLAB)],
            sem_c,
        )

    @pl.when(wid == _NW - 1)
    def _():
        pltpu.async_copy(
            rep_hbm.at[pl.ds(base, _SLAB_LAST)],
            out_hbm.at[pl.ds(base, _SLAB_LAST)],
            sem_c,
        )

    pltpu.sync_copy(rm_hbm.at[wid], rm_idx)
    zero = jnp.zeros((16,), jnp.int32)
    for j in range(_C // 16):
        zidx[pl.ds(j * 16, 16)] = zero
    pltpu.async_copy(tok_hbm.at[zidx], tok_rows, sem_t).wait()

    @pl.when(wid < _NW - 1)
    def _():
        pltpu.make_async_copy(
            rep_hbm.at[pl.ds(base, _SLAB)], out_hbm.at[pl.ds(base, _SLAB)],
            sem_c,
        ).wait()

    @pl.when(wid == _NW - 1)
    def _():
        pltpu.make_async_copy(
            rep_hbm.at[pl.ds(base, _SLAB_LAST)],
            out_hbm.at[pl.ds(base, _SLAB_LAST)],
            sem_c,
        ).wait()
    rm_copies = [
        pltpu.async_copy(tok_rows, out_hbm.at[rm_idx.at[j]], sem_t)
        for j in range(_PCH)
    ]
    for c in rm_copies:
        c.wait()


def kernel(rep, dec_mask_token):
    out = _remask_sc(rep, dec_mask_token, jnp.asarray(_RM_IDX))
    return (out, jnp.asarray(_REMASK_NP), jnp.asarray(_REKEEP_NP))

# --- scband reference (transcript-rebuilt; emitter-appended) ---
"""Pipeline reference for scband-random-remask-21311627723510 (READ-ONLY COPY).

The authoritative reference and input builder live on the scoring server;
editing this copy changes nothing except your own understanding.
"""

import jax, jax.numpy as jnp
import numpy as np

N = 100000
D = 128
REMASK_RATE = 0.5

def setup_inputs(seed: int = 0) -> dict:
    key = jax.random.key(seed)
    k1, k2 = jax.random.split(key)
    rep = jax.random.normal(k1, (N, D), dtype=jnp.float32)
    # dec_mask_token: nn.Parameter of shape (1, out_dim), xavier_normal init
    std = 1.414 * np.sqrt(2.0 / (1 + D))
    dec_mask_token = jax.random.normal(k2, (1, D), dtype=jnp.float32) * std
    return {"rep": rep, "dec_mask_token": dec_mask_token}

def reference(rep, dec_mask_token):
    num_nodes = rep.shape[0]
    # torch.randperm -> deterministic jax permutation with fixed key
    perm = jax.random.permutation(jax.random.key(42), num_nodes)
    num_remask_nodes = int(REMASK_RATE * num_nodes)
    remask_nodes = perm[:num_remask_nodes]
    rekeep_nodes = perm[num_remask_nodes:]
    out_rep = rep
    # out_rep[remask_nodes] = 0.0
    out_rep = out_rep.at[remask_nodes].set(0.0)
    # out_rep[remask_nodes] += dec_mask_token (broadcast (1, D) over rows)
    out_rep = out_rep.at[remask_nodes].add(jnp.broadcast_to(dec_mask_token, (num_remask_nodes, rep.shape[1])))
    return (out_rep, remask_nodes, rekeep_nodes)

if __name__ == "__main__":
    import jax
    _d = setup_inputs()
    print(jax.jit(kernel)(*tuple(_d.values())))

</pallas_src>

<mosaic_0001>
#map = affine_map<(d0, d1) -> (0, 0)>
#map1 = affine_map<(d0, d1) -> (0, 0, 0)>
module attributes {stable_mosaic.version = 14 : i64} {
  func.func @_remask_sc(%arg0: i32, %arg1: i32, %arg2: memref<100000x128xf32, #tpu.memory_space<hbm>>, %arg3: memref<1x128xf32, #tpu.memory_space<hbm>>, %arg4: memref<32x15x112xi32, #tpu.memory_space<hbm>>, %arg5: memref<100000x128xf32, #tpu.memory_space<hbm>>, %arg6: memref<15x112xi32, #tpu.memory_space<vmem>>, %arg7: memref<112xi32, #tpu.memory_space<vmem>>, %arg8: memref<112x128xf32, #tpu.memory_space<vmem>>, %arg9: memref<!tpu.dma_semaphore, #tpu.memory_space<semaphore_mem>>, %arg10: memref<!tpu.dma_semaphore, #tpu.memory_space<semaphore_mem>>) attributes {dimension_semantics = [#tpu.dimension_semantics<core_parallel>, #tpu.dimension_semantics<subcore_parallel>], iteration_bounds = array<i64: 2, 16>, scalar_prefetch = 0 : i64, scratch_operands = 5 : i64, tpu.core_type = #tpu.core_type<sc_vector_subcore>, window_params = [{transform_indices = #map}, {transform_indices = #map}, {transform_indices = #map1}, {transform_indices = #map}]} {
    %mul3A = arith.constant 2 : i32
    %mul3A_0 = arith.muli %arg1, %mul3A : i32
    %add3A = arith.addi %mul3A_0, %arg0 : i32
    %mul3A_1 = arith.constant 3128 : i32
    %mul3A_2 = arith.muli %add3A, %mul3A_1 : i32
    %multiple_of3A = tpu.assume_multiple %mul3A_2, 8 : i32
    %lt3A = arith.constant 31 : i32
    %lt3A_3 = arith.cmpi slt, %add3A, %lt3A : i32
    %convert_element_type3A = arith.extui %lt3A_3 : i1 to i32
    %cond3A = arith.constant 0 : i32
    %cond3A_4 = arith.cmpi ne, %convert_element_type3A, %cond3A : i32
    scf.if %cond3A_4 {
      %dma_start3A_261 = arith.constant 0 : i32
      %dma_start3A_262 = tpu.memref_slice %arg5[%multiple_of3A, %dma_start3A_261] : memref<100000x128xf32, #tpu.memory_space<hbm>> -> memref<3128x128xf32, #tpu.memory_space<hbm>>
      %dma_start3A_263 = arith.constant 0 : i32
      %dma_start3A_264 = tpu.memref_slice %arg2[%multiple_of3A, %dma_start3A_263] : memref<100000x128xf32, #tpu.memory_space<hbm>> -> memref<3128x128xf32, #tpu.memory_space<hbm>>
      tpu.enqueue_dma source(%dma_start3A_264 : memref<3128x128xf32, #tpu.memory_space<hbm>>) target(%dma_start3A_262 : memref<3128x128xf32, #tpu.memory_space<hbm>>) target_semaphore(%arg9 : memref<!tpu.dma_semaphore, #tpu.memory_space<semaphore_mem>>)
    } else {
    }
    %eq3A = arith.constant 31 : i32
    %eq3A_5 = arith.cmpi eq, %add3A, %eq3A : i32
    %convert_element_type3A_6 = arith.extui %eq3A_5 : i1 to i32
    %cond3A_7 = arith.constant 0 : i32
    %cond3A_8 = arith.cmpi ne, %convert_element_type3A_6, %cond3A_7 : i32
    scf.if %cond3A_8 {
      %dma_start3A_261 = arith.constant 0 : i32
      %dma_start3A_262 = tpu.memref_slice %arg5[%multiple_of3A, %dma_start3A_261] : memref<100000x128xf32, #tpu.memory_space<hbm>> -> memref<3032x128xf32, #tpu.memory_space<hbm>>
      %dma_start3A_263 = arith.constant 0 : i32
      %dma_start3A_264 = tpu.memref_slice %arg2[%multiple_of3A, %dma_start3A_263] : memref<100000x128xf32, #tpu.memory_space<hbm>> -> memref<3032x128xf32, #tpu.memory_space<hbm>>
      tpu.enqueue_dma source(%dma_start3A_264 : memref<3032x128xf32, #tpu.memory_space<hbm>>) target(%dma_start3A_262 : memref<3032x128xf32, #tpu.memory_space<hbm>>) target_semaphore(%arg9 : memref<!tpu.dma_semaphore, #tpu.memory_space<semaphore_mem>>)
    } else {
    }
    "tpu.region"() ({
      %run_scoped3A = tpu.sem_alloc : memref<!tpu.dma_semaphore, #tpu.memory_space<semaphore_mem>>
      %dma_start3A_261 = arith.constant 0 : i32
      %dma_start3A_262 = arith.constant 0 : i32
      %dma_start3A_263 = tpu.memref_slice %arg4[%add3A, %dma_start3A_261, %dma_start3A_262] : memref<32x15x112xi32, #tpu.memory_space<hbm>> -> memref<1x15x112xi32, #tpu.memory_space<hbm>>
      %dma_start3A_264 = tpu.memref_squeeze %dma_start3A_263 : memref<1x15x112xi32, #tpu.memory_space<hbm>> -> memref<15x112xi32, #tpu.memory_space<hbm>>
      %dma_start3A_265 = arith.constant 0 : i32
      %dma_start3A_266 = arith.constant 0 : i32
      %dma_start3A_267 = tpu.memref_slice %arg4[%add3A, %dma_start3A_265, %dma_start3A_266] : memref<32x15x112xi32, #tpu.memory_space<hbm>> -> memref<1x15x112xi32, #tpu.memory_space<hbm>>
      %dma_start3A_268 = tpu.memref_squeeze %dma_start3A_267 : memref<1x15x112xi32, #tpu.memory_space<hbm>> -> memref<15x112xi32, #tpu.memory_space<hbm>>
      tpu.enqueue_dma source(%dma_start3A_268 : memref<15x112xi32, #tpu.memory_space<hbm>>) target(%arg6 : memref<15x112xi32, #tpu.memory_space<vmem>>) target_semaphore(%run_scoped3A : memref<!tpu.dma_semaphore, #tpu.memory_space<semaphore_mem>>)
      %dma_wait3A_269 = arith.constant 0 : i32
      %dma_wait3A_270 = arith.constant 0 : i32
      %dma_wait3A_271 = tpu.memref_slice %arg4[%add3A, %dma_wait3A_269, %dma_wait3A_270] : memref<32x15x112xi32, #tpu.memory_space<hbm>> -> memref<1x15x112xi32, #tpu.memory_space<hbm>>
      %dma_wait3A_272 = tpu.memref_squeeze %dma_wait3A_271 : memref<1x15x112xi32, #tpu.memory_space<hbm>> -> memref<15x112xi32, #tpu.memory_space<hbm>>
      %dma_wait3A_273 = arith.constant 0 : i32
      %dma_wait3A_274 = arith.constant 0 : i32
      %dma_wait3A_275 = tpu.memref_slice %arg4[%add3A, %dma_wait3A_273, %dma_wait3A_274] : memref<32x15x112xi32, #tpu.memory_space<hbm>> -> memref<1x15x112xi32, #tpu.memory_space<hbm>>
      %dma_wait3A_276 = tpu.memref_squeeze %dma_wait3A_275 : memref<1x15x112xi32, #tpu.memory_space<hbm>> -> memref<15x112xi32, #tpu.memory_space<hbm>>
      tpu.wait_dma2 semaphore(%run_scoped3A : memref<!tpu.dma_semaphore, #tpu.memory_space<semaphore_mem>>) src(%dma_wait3A_276 : memref<15x112xi32, #tpu.memory_space<hbm>>) dst(%arg6 : memref<15x112xi32, #tpu.memory_space<vmem>>)
      tpu.yield
    }) : () -> ()
    %broadcast_in_dim3A = arith.constant 0 : i32
    %broadcast_in_dim3A_9 = vector.broadcast %broadcast_in_dim3A : i32 to vector<16xi32>
    %swap3A = arith.constant 0 : index
    %swap3A_10 = tpu.vector_load %arg7[%swap3A] {strides = array<i32>} : memref<112xi32, #tpu.memory_space<vmem>>, vector<16xi32>,
    %swap3A_11 = vector.shape_cast %swap3A_10 : vector<16xi32> to vector<16xi32>
    %swap3A_12 = vector.shape_cast %broadcast_in_dim3A_9 : vector<16xi32> to vector<16xi32>
    tpu.vector_store %arg7[%swap3A], %swap3A_12 {strides = array<i32>} : memref<112xi32, #tpu.memory_space<vmem>>, vector<16xi32>,
    %swap3A_13 = arith.constant 16 : index
    %swap3A_14 = tpu.vector_load %arg7[%swap3A_13] {strides = array<i32>} : memref<112xi32, #tpu.memory_space<vmem>>, vector<16xi32>,
    %swap3A_15 = vector.shape_cast %swap3A_14 : vector<16xi32> to vector<16xi32>
    %swap3A_16 = vector.shape_cast %broadcast_in_dim3A_9 : vector<16xi32> to vector<16xi32>
    tpu.vector_store %arg7[%swap3A_13], %swap3A_16 {strides = array<i32>} : memref<112xi32, #tpu.memory_space<vmem>>, vector<16xi32>,
    %swap3A_17 = arith.constant 32 : index
    %swap3A_18 = tpu.vector_load %arg7[%swap3A_17] {strides = array<i32>} : memref<112xi32, #tpu.memory_space<vmem>>, vector<16xi32>,
    %swap3A_19 = vector.shape_cast %swap3A_18 : vector<16xi32> to vector<16xi32>
    %swap3A_20 = vector.shape_cast %broadcast_in_dim3A_9 : vector<16xi32> to vector<16xi32>
    tpu.vector_store %arg7[%swap3A_17], %swap3A_20 {strides = array<i32>} : memref<112xi32, #tpu.memory_space<vmem>>, vector<16xi32>,
    %swap3A_21 = arith.constant 48 : index
    %swap3A_22 = tpu.vector_load %arg7[%swap3A_21] {strides = array<i32>} : memref<112xi32, #tpu.memory_space<vmem>>, vector<16xi32>,
    %swap3A_23 = vector.shape_cast %swap3A_22 : vector<16xi32> to vector<16xi32>
    %swap3A_24 = vector.shape_cast %broadcast_in_dim3A_9 : vector<16xi32> to vector<16xi32>
    tpu.vector_store %arg7[%swap3A_21], %swap3A_24 {strides = array<i32>} : memref<112xi32, #tpu.memory_space<vmem>>, vector<16xi32>,
    %swap3A_25 = arith.constant 64 : index
    %swap3A_26 = tpu.vector_load %arg7[%swap3A_25] {strides = array<i32>} : memref<112xi32, #tpu.memory_space<vmem>>, vector<16xi32>,
    %swap3A_27 = vector.shape_cast %swap3A_26 : vector<16xi32> to vector<16xi32>
    %swap3A_28 = vector.shape_cast %broadcast_in_dim3A_9 : vector<16xi32> to vector<16xi32>
    tpu.vector_store %arg7[%swap3A_25], %swap3A_28 {strides = array<i32>} : memref<112xi32, #tpu.memory_space<vmem>>, vector<16xi32>,
    %swap3A_29 = arith.constant 80 : index
    %swap3A_30 = tpu.vector_load %arg7[%swap3A_29] {strides = array<i32>} : memref<112xi32, #tpu.memory_space<vmem>>, vector<16xi32>,
    %swap3A_31 = vector.shape_cast %swap3A_30 : vector<16xi32> to vector<16xi32>
    %swap3A_32 = vector.shape_cast %broadcast_in_dim3A_9 : vector<16xi32> to vector<16xi32>
    tpu.vector_store %arg7[%swap3A_29], %swap3A_32 {strides = array<i32>} : memref<112xi32, #tpu.memory_space<vmem>>, vector<16xi32>,
    %swap3A_33 = arith.constant 96 : index
    %swap3A_34 = tpu.vector_load %arg7[%swap3A_33] {strides = array<i32>} : memref<112xi32, #tpu.memory_space<vmem>>, vector<16xi32>,
    %swap3A_35 = vector.shape_cast %swap3A_34 : vector<16xi32> to vector<16xi32>
    %swap3A_36 = vector.shape_cast %broadcast_in_dim3A_9 : vector<16xi32> to vector<16xi32>
    tpu.vector_store %arg7[%swap3A_33], %swap3A_36 {strides = array<i32>} : memref<112xi32, #tpu.memory_space<vmem>>, vector<16xi32>,
    %dma_start3A = arith.constant 0 : i32
    %dma_start3A_37 = arith.constant 0 : i32
    %dma_start3A_38 = tpu.memref_slice %arg3[%dma_start3A, %dma_start3A_37] : memref<1x128xf32, #tpu.memory_space<hbm>> -> memref<1x128xf32, #tpu.memory_space<hbm>>
    tpu.enqueue_indirect_dma source(%dma_start3A_38 : memref<1x128xf32, #tpu.memory_space<hbm>>) target(%arg8 : memref<112x128xf32, #tpu.memory_space<vmem>>) offsets(%arg7 : memref<112xi32, #tpu.memory_space<vmem>>) semaphore(%arg10 : memref<!tpu.dma_semaphore, #tpu.memory_space<semaphore_mem>>)
    %dma_wait3A = arith.constant 0 : i32
    %dma_wait3A_39 = arith.constant 0 : i32
    %dma_wait3A_40 = tpu.memref_slice %arg3[%dma_wait3A, %dma_wait3A_39] : memref<1x128xf32, #tpu.memory_space<hbm>> -> memref<1x128xf32, #tpu.memory_space<hbm>>
    tpu.wait_indirect_dma semaphore(%arg10 : memref<!tpu.dma_semaphore, #tpu.memory_space<semaphore_mem>>) src(%dma_wait3A_40 : memref<1x128xf32, #tpu.memory_space<hbm>>) dst(%arg8 : memref<112x128xf32, #tpu.memory_space<vmem>>)
    %lt3A_41 = arith.constant 31 : i32
    %lt3A_42 = arith.cmpi slt, %add3A, %lt3A_41 : i32
    %convert_element_type3A_43 = arith.extui %lt3A_42 : i1 to i32
    %cond3A_44 = arith.constant 0 : i32
    %cond3A_45 = arith.cmpi ne, %convert_element_type3A_43, %cond3A_44 : i32
    scf.if %cond3A_45 {
      %dma_wait3A_261 = arith.constant 0 : i32
      %dma_wait3A_262 = tpu.memref_slice %arg5[%multiple_of3A, %dma_wait3A_261] : memref<100000x128xf32, #tpu.memory_space<hbm>> -> memref<3128x128xf32, #tpu.memory_space<hbm>>
      %dma_wait3A_263 = arith.constant 0 : i32
      %dma_wait3A_264 = tpu.memref_slice %arg2[%multiple_of3A, %dma_wait3A_263] : memref<100000x128xf32, #tpu.memory_space<hbm>> -> memref<3128x128xf32, #tpu.memory_space<hbm>>
      tpu.wait_dma2 semaphore(%arg9 : memref<!tpu.dma_semaphore, #tpu.memory_space<semaphore_mem>>) src(%dma_wait3A_264 : memref<3128x128xf32, #tpu.memory_space<hbm>>) dst(%dma_wait3A_262 : memref<3128x128xf32, #tpu.memory_space<hbm>>)
    } else {
    }
    %eq3A_46 = arith.constant 31 : i32
    %eq3A_47 = arith.cmpi eq, %add3A, %eq3A_46 : i32
    %convert_element_type3A_48 = arith.extui %eq3A_47 : i1 to i32
    %cond3A_49 = arith.constant 0 : i32
    %cond3A_50 = arith.cmpi ne, %convert_element_type3A_48, %cond3A_49 : i32
    scf.if %cond3A_50 {
      %dma_wait3A_261 = arith.constant 0 : i32
      %dma_wait3A_262 = tpu.memref_slice %arg5[%multiple_of3A, %dma_wait3A_261] : memref<100000x128xf32, #tpu.memory_space<hbm>> -> memref<3032x128xf32, #tpu.memory_space<hbm>>
      %dma_wait3A_263 = arith.constant 0 : i32
      %dma_wait3A_264 = tpu.memref_slice %arg2[%multiple_of3A, %dma_wait3A_263] : memref<100000x128xf32, #tpu.memory_space<hbm>> -> memref<3032x128xf32, #tpu.memory_space<hbm>>
      tpu.wait_dma2 semaphore(%arg9 : memref<!tpu.dma_semaphore, #tpu.memory_space<semaphore_mem>>) src(%dma_wait3A_264 : memref<3032x128xf32, #tpu.memory_space<hbm>>) dst(%dma_wait3A_262 : memref<3032x128xf32, #tpu.memory_space<hbm>>)
    } else {
    }
    %dma_start3A_51 = arith.constant 0 : i32
    %dma_start3A_52 = arith.constant 0 : i32
    %dma_start3A_53 = tpu.memref_slice %arg6[%dma_start3A_51, %dma_start3A_52] : memref<15x112xi32, #tpu.memory_space<vmem>> -> memref<1x112xi32, #tpu.memory_space<vmem>>
    %dma_start3A_54 = tpu.memref_squeeze %dma_start3A_53 : memref<1x112xi32, #tpu.memory_space<vmem>> -> memref<112xi32, #tpu.memory_space<vmem>>
    %dma_start3A_55 = arith.constant 0 : i32
    %dma_start3A_56 = arith.constant 0 : i32
    %dma_start3A_57 = tpu.memref_slice %arg5[%dma_start3A_55, %dma_start3A_56] : memref<100000x128xf32, #tpu.memory_space<hbm>> -> memref<100000x128xf32, #tpu.memory_space<hbm>>
    tpu.enqueue_indirect_dma source(%arg8 : memref<112x128xf32, #tpu.memory_space<vmem>>) target(%dma_start3A_57 : memref<100000x128xf32, #tpu.memory_space<hbm>>) offsets(%dma_start3A_54 : memref<112xi32, #tpu.memory_space<vmem>>) semaphore(%arg10 : memref<!tpu.dma_semaphore, #tpu.memory_space<semaphore_mem>>)
    %dma_start3A_58 = arith.constant 1 : i32
    %dma_start3A_59 = arith.constant 0 : i32
    %dma_start3A_60 = tpu.memref_slice %arg6[%dma_start3A_58, %dma_start3A_59] : memref<15x112xi32, #tpu.memory_space<vmem>> -> memref<1x112xi32, #tpu.memory_space<vmem>>
    %dma_start3A_61 = tpu.memref_squeeze %dma_start3A_60 : memref<1x112xi32, #tpu.memory_space<vmem>> -> memref<112xi32, #tpu.memory_space<vmem>>
    %dma_start3A_62 = arith.constant 0 : i32
    %dma_start3A_63 = arith.constant 0 : i32
    %dma_start3A_64 = tpu.memref_slice %arg5[%dma_start3A_62, %dma_start3A_63] : memref<100000x128xf32, #tpu.memory_space<hbm>> -> memref<100000x128xf32, #tpu.memory_space<hbm>>
    tpu.enqueue_indirect_dma source(%arg8 : memref<112x128xf32, #tpu.memory_space<vmem>>) target(%dma_start3A_64 : memref<100000x128xf32, #tpu.memory_space<hbm>>) offsets(%dma_start3A_61 : memref<112xi32, #tpu.memory_space<vmem>>) semaphore(%arg10 : memref<!tpu.dma_semaphore, #tpu.memory_space<semaphore_mem>>)
    %dma_start3A_65 = arith.constant 2 : i32
    %dma_start3A_66 = arith.constant 0 : i32
    %dma_start3A_67 = tpu.memref_slice %arg6[%dma_start3A_65, %dma_start3A_66] : memref<15x112xi32, #tpu.memory_space<vmem>> -> memref<1x112xi32, #tpu.memory_space<vmem>>
    %dma_start3A_68 = tpu.memref_squeeze %dma_start3A_67 : memref<1x112xi32, #tpu.memory_space<vmem>> -> memref<112xi32, #tpu.memory_space<vmem>>
    %dma_start3A_69 = arith.constant 0 : i32
    %dma_start3A_70 = arith.constant 0 : i32
    %dma_start3A_71 = tpu.memref_slice %arg5[%dma_start3A_69, %dma_start3A_70] : memref<100000x128xf32, #tpu.memory_space<hbm>> -> memref<100000x128xf32, #tpu.memory_space<hbm>>
    tpu.enqueue_indirect_dma source(%arg8 : memref<112x128xf32, #tpu.memory_space<vmem>>) target(%dma_start3A_71 : memref<100000x128xf32, #tpu.memory_space<hbm>>) offsets(%dma_start3A_68 : memref<112xi32, #tpu.memory_space<vmem>>) semaphore(%arg10 : memref<!tpu.dma_semaphore, #tpu.memory_space<semaphore_mem>>)
    %dma_start3A_72 = arith.constant 3 : i32
    %dma_start3A_73 = arith.constant 0 : i32
    %dma_start3A_74 = tpu.memref_slice %arg6[%dma_start3A_72, %dma_start3A_73] : memref<15x112xi32, #tpu.memory_space<vmem>> -> memref<1x112xi32, #tpu.memory_space<vmem>>
    %dma_start3A_75 = tpu.memref_squeeze %dma_start3A_74 : memref<1x112xi32, #tpu.memory_space<vmem>> -> memref<112xi32, #tpu.memory_space<vmem>>
    %dma_start3A_76 = arith.constant 0 : i32
    %dma_start3A_77 = arith.constant 0 : i32
    %dma_start3A_78 = tpu.memref_slice %arg5[%dma_start3A_76, %dma_start3A_77] : memref<100000x128xf32, #tpu.memory_space<hbm>> -> memref<100000x128xf32, #tpu.memory_space<hbm>>
    tpu.enqueue_indirect_dma source(%arg8 : memref<112x128xf32, #tpu.memory_space<vmem>>) target(%dma_start3A_78 : memref<100000x128xf32, #tpu.memory_space<hbm>>) offsets(%dma_start3A_75 : memref<112xi32, #tpu.memory_space<vmem>>) semaphore(%arg10 : memref<!tpu.dma_semaphore, #tpu.memory_space<semaphore_mem>>)
    %dma_start3A_79 = arith.constant 4 : i32
    %dma_start3A_80 = arith.constant 0 : i32
    %dma_start3A_81 = tpu.memref_slice %arg6[%dma_start3A_79, %dma_start3A_80] : memref<15x112xi32, #tpu.memory_space<vmem>> -> memref<1x112xi32, #tpu.memory_space<vmem>>
    %dma_start3A_82 = tpu.memref_squeeze %dma_start3A_81 : memref<1x112xi32, #tpu.memory_space<vmem>> -> memref<112xi32, #tpu.memory_space<vmem>>
    %dma_start3A_83 = arith.constant 0 : i32
    %dma_start3A_84 = arith.constant 0 : i32
    %dma_start3A_85 = tpu.memref_slice %arg5[%dma_start3A_83, %dma_start3A_84] : memref<100000x128xf32, #tpu.memory_space<hbm>> -> memref<100000x128xf32, #tpu.memory_space<hbm>>
    tpu.enqueue_indirect_dma source(%arg8 : memref<112x128xf32, #tpu.memory_space<vmem>>) target(%dma_start3A_85 : memref<100000x128xf32, #tpu.memory_space<hbm>>) offsets(%dma_start3A_82 : memref<112xi32, #tpu.memory_space<vmem>>) semaphore(%arg10 : memref<!tpu.dma_semaphore, #tpu.memory_space<semaphore_mem>>)
    %dma_start3A_86 = arith.constant 5 : i32
    %dma_start3A_87 = arith.constant 0 : i32
    %dma_start3A_88 = tpu.memref_slice %arg6[%dma_start3A_86, %dma_start3A_87] : memref<15x112xi32, #tpu.memory_space<vmem>> -> memref<1x112xi32, #tpu.memory_space<vmem>>
    %dma_start3A_89 = tpu.memref_squeeze %dma_start3A_88 : memref<1x112xi32, #tpu.memory_space<vmem>> -> memref<112xi32, #tpu.memory_space<vmem>>
    %dma_start3A_90 = arith.constant 0 : i32
    %dma_start3A_91 = arith.constant 0 : i32
    %dma_start3A_92 = tpu.memref_slice %arg5[%dma_start3A_90, %dma_start3A_91] : memref<100000x128xf32, #tpu.memory_space<hbm>> -> memref<100000x128xf32, #tpu.memory_space<hbm>>
    tpu.enqueue_indirect_dma source(%arg8 : memref<112x128xf32, #tpu.memory_space<vmem>>) target(%dma_start3A_92 : memref<100000x128xf32, #tpu.memory_space<hbm>>) offsets(%dma_start3A_89 : memref<112xi32, #tpu.memory_space<vmem>>) semaphore(%arg10 : memref<!tpu.dma_semaphore, #tpu.memory_space<semaphore_mem>>)
    %dma_start3A_93 = arith.constant 6 : i32
    %dma_start3A_94 = arith.constant 0 : i32
    %dma_start3A_95 = tpu.memref_slice %arg6[%dma_start3A_93, %dma_start3A_94] : memref<15x112xi32, #tpu.memory_space<vmem>> -> memref<1x112xi32, #tpu.memory_space<vmem>>
    %dma_start3A_96 = tpu.memref_squeeze %dma_start3A_95 : memref<1x112xi32, #tpu.memory_space<vmem>> -> memref<112xi32, #tpu.memory_space<vmem>>
    %dma_start3A_97 = arith.constant 0 : i32
    %dma_start3A_98 = arith.constant 0 : i32
    %dma_start3A_99 = tpu.memref_slice %arg5[%dma_start3A_97, %dma_start3A_98] : memref<100000x128xf32, #tpu.memory_space<hbm>> -> memref<100000x128xf32, #tpu.memory_space<hbm>>
    tpu.enqueue_indirect_dma source(%arg8 : memref<112x128xf32, #tpu.memory_space<vmem>>) target(%dma_start3A_99 : memref<100000x128xf32, #tpu.memory_space<hbm>>) offsets(%dma_start3A_96 : memref<112xi32, #tpu.memory_space<vmem>>) semaphore(%arg10 : memref<!tpu.dma_semaphore, #tpu.memory_space<semaphore_mem>>)
    %dma_start3A_100 = arith.constant 7 : i32
    %dma_start3A_101 = arith.constant 0 : i32
    %dma_start3A_102 = tpu.memref_slice %arg6[%dma_start3A_100, %dma_start3A_101] : memref<15x112xi32, #tpu.memory_space<vmem>> -> memref<1x112xi32, #tpu.memory_space<vmem>>
    %dma_start3A_103 = tpu.memref_squeeze %dma_start3A_102 : memref<1x112xi32, #tpu.memory_space<vmem>> -> memref<112xi32, #tpu.memory_space<vmem>>
    %dma_start3A_104 = arith.constant 0 : i32
    %dma_start3A_105 = arith.constant 0 : i32
    %dma_start3A_106 = tpu.memref_slice %arg5[%dma_start3A_104, %dma_start3A_105] : memref<100000x128xf32, #tpu.memory_space<hbm>> -> memref<100000x128xf32, #tpu.memory_space<hbm>>
    tpu.enqueue_indirect_dma source(%arg8 : memref<112x128xf32, #tpu.memory_space<vmem>>) target(%dma_start3A_106 : memref<100000x128xf32, #tpu.memory_space<hbm>>) offsets(%dma_start3A_103 : memref<112xi32, #tpu.memory_space<vmem>>) semaphore(%arg10 : memref<!tpu.dma_semaphore, #tpu.memory_space<semaphore_mem>>)
    %dma_start3A_107 = arith.constant 8 : i32
    %dma_start3A_108 = arith.constant 0 : i32
    %dma_start3A_109 = tpu.memref_slice %arg6[%dma_start3A_107, %dma_start3A_108] : memref<15x112xi32, #tpu.memory_space<vmem>> -> memref<1x112xi32, #tpu.memory_space<vmem>>
    %dma_start3A_110 = tpu.memref_squeeze %dma_start3A_109 : memref<1x112xi32, #tpu.memory_space<vmem>> -> memref<112xi32, #tpu.memory_space<vmem>>
    %dma_start3A_111 = arith.constant 0 : i32
    %dma_start3A_112 = arith.constant 0 : i32
    %dma_start3A_113 = tpu.memref_slice %arg5[%dma_start3A_111, %dma_start3A_112] : memref<100000x128xf32, #tpu.memory_space<hbm>> -> memref<100000x128xf32, #tpu.memory_space<hbm>>
    tpu.enqueue_indirect_dma source(%arg8 : memref<112x128xf32, #tpu.memory_space<vmem>>) target(%dma_start3A_113 : memref<100000x128xf32, #tpu.memory_space<hbm>>) offsets(%dma_start3A_110 : memref<112xi32, #tpu.memory_space<vmem>>) semaphore(%arg10 : memref<!tpu.dma_semaphore, #tpu.memory_space<semaphore_mem>>)
    %dma_start3A_114 = arith.constant 9 : i32
    %dma_start3A_115 = arith.constant 0 : i32
    %dma_start3A_116 = tpu.memref_slice %arg6[%dma_start3A_114, %dma_start3A_115] : memref<15x112xi32, #tpu.memory_space<vmem>> -> memref<1x112xi32, #tpu.memory_space<vmem>>
    %dma_start3A_117 = tpu.memref_squeeze %dma_start3A_116 : memref<1x112xi32, #tpu.memory_space<vmem>> -> memref<112xi32, #tpu.memory_space<vmem>>
    %dma_start3A_118 = arith.constant 0 : i32
    %dma_start3A_119 = arith.constant 0 : i32
    %dma_start3A_120 = tpu.memref_slice %arg5[%dma_start3A_118, %dma_start3A_119] : memref<100000x128xf32, #tpu.memory_space<hbm>> -> memref<100000x128xf32, #tpu.memory_space<hbm>>
    tpu.enqueue_indirect_dma source(%arg8 : memref<112x128xf32, #tpu.memory_space<vmem>>) target(%dma_start3A_120 : memref<100000x128xf32, #tpu.memory_space<hbm>>) offsets(%dma_start3A_117 : memref<112xi32, #tpu.memory_space<vmem>>) semaphore(%arg10 : memref<!tpu.dma_semaphore, #tpu.memory_space<semaphore_mem>>)
    %dma_start3A_121 = arith.constant 10 : i32
    %dma_start3A_122 = arith.constant 0 : i32
    %dma_start3A_123 = tpu.memref_slice %arg6[%dma_start3A_121, %dma_start3A_122] : memref<15x112xi32, #tpu.memory_space<vmem>> -> memref<1x112xi32, #tpu.memory_space<vmem>>
    %dma_start3A_124 = tpu.memref_squeeze %dma_start3A_123 : memref<1x112xi32, #tpu.memory_space<vmem>> -> memref<112xi32, #tpu.memory_space<vmem>>
    %dma_start3A_125 = arith.constant 0 : i32
    %dma_start3A_126 = arith.constant 0 : i32
    %dma_start3A_127 = tpu.memref_slice %arg5[%dma_start3A_125, %dma_start3A_126] : memref<100000x128xf32, #tpu.memory_space<hbm>> -> memref<100000x128xf32, #tpu.memory_space<hbm>>
    tpu.enqueue_indirect_dma source(%arg8 : memref<112x128xf32, #tpu.memory_space<vmem>>) target(%dma_start3A_127 : memref<100000x128xf32, #tpu.memory_space<hbm>>) offsets(%dma_start3A_124 : memref<112xi32, #tpu.memory_space<vmem>>) semaphore(%arg10 : memref<!tpu.dma_semaphore, #tpu.memory_space<semaphore_mem>>)
    %dma_start3A_128 = arith.constant 11 : i32
    %dma_start3A_129 = arith.constant 0 : i32
    %dma_start3A_130 = tpu.memref_slice %arg6[%dma_start3A_128, %dma_start3A_129] : memref<15x112xi32, #tpu.memory_space<vmem>> -> memref<1x112xi32, #tpu.memory_space<vmem>>
    %dma_start3A_131 = tpu.memref_squeeze %dma_start3A_130 : memref<1x112xi32, #tpu.memory_space<vmem>> -> memref<112xi32, #tpu.memory_space<vmem>>
    %dma_start3A_132 = arith.constant 0 : i32
    %dma_start3A_133 = arith.constant 0 : i32
    %dma_start3A_134 = tpu.memref_slice %arg5[%dma_start3A_132, %dma_start3A_133] : memref<100000x128xf32, #tpu.memory_space<hbm>> -> memref<100000x128xf32, #tpu.memory_space<hbm>>
    tpu.enqueue_indirect_dma source(%arg8 : memref<112x128xf32, #tpu.memory_space<vmem>>) target(%dma_start3A_134 : memref<100000x128xf32, #tpu.memory_space<hbm>>) offsets(%dma_start3A_131 : memref<112xi32, #tpu.memory_space<vmem>>) semaphore(%arg10 : memref<!tpu.dma_semaphore, #tpu.memory_space<semaphore_mem>>)
    %dma_start3A_135 = arith.constant 12 : i32
    %dma_start3A_136 = arith.constant 0 : i32
    %dma_start3A_137 = tpu.memref_slice %arg6[%dma_start3A_135, %dma_start3A_136] : memref<15x112xi32, #tpu.memory_space<vmem>> -> memref<1x112xi32, #tpu.memory_space<vmem>>
    %dma_start3A_138 = tpu.memref_squeeze %dma_start3A_137 : memref<1x112xi32, #tpu.memory_space<vmem>> -> memref<112xi32, #tpu.memory_space<vmem>>
    %dma_start3A_139 = arith.constant 0 : i32
    %dma_start3A_140 = arith.constant 0 : i32
    %dma_start3A_141 = tpu.memref_slice %arg5[%dma_start3A_139, %dma_start3A_140] : memref<100000x128xf32, #tpu.memory_space<hbm>> -> memref<100000x128xf32, #tpu.memory_space<hbm>>
    tpu.enqueue_indirect_dma source(%arg8 : memref<112x128xf32, #tpu.memory_space<vmem>>) target(%dma_start3A_141 : memref<100000x128xf32, #tpu.memory_space<hbm>>) offsets(%dma_start3A_138 : memref<112xi32, #tpu.memory_space<vmem>>) semaphore(%arg10 : memref<!tpu.dma_semaphore, #tpu.memory_space<semaphore_mem>>)
    %dma_start3A_142 = arith.constant 13 : i32
    %dma_start3A_143 = arith.constant 0 : i32
    %dma_start3A_144 = tpu.memref_slice %arg6[%dma_start3A_142, %dma_start3A_143] : memref<15x112xi32, #tpu.memory_space<vmem>> -> memref<1x112xi32, #tpu.memory_space<vmem>>
    %dma_start3A_145 = tpu.memref_squeeze %dma_start3A_144 : memref<1x112xi32, #tpu.memory_space<vmem>> -> memref<112xi32, #tpu.memory_space<vmem>>
    %dma_start3A_146 = arith.constant 0 : i32
    %dma_start3A_147 = arith.constant 0 : i32
    %dma_start3A_148 = tpu.memref_slice %arg5[%dma_start3A_146, %dma_start3A_147] : memref<100000x128xf32, #tpu.memory_space<hbm>> -> memref<100000x128xf32, #tpu.memory_space<hbm>>
    tpu.enqueue_indirect_dma source(%arg8 : memref<112x128xf32, #tpu.memory_space<vmem>>) target(%dma_start3A_148 : memref<100000x128xf32, #tpu.memory_space<hbm>>) offsets(%dma_start3A_145 : memref<112xi32, #tpu.memory_space<vmem>>) semaphore(%arg10 : memref<!tpu.dma_semaphore, #tpu.memory_space<semaphore_mem>>)
    %dma_start3A_149 = arith.constant 14 : i32
    %dma_start3A_150 = arith.constant 0 : i32
    %dma_start3A_151 = tpu.memref_slice %arg6[%dma_start3A_149, %dma_start3A_150] : memref<15x112xi32, #tpu.memory_space<vmem>> -> memref<1x112xi32, #tpu.memory_space<vmem>>
    %dma_start3A_152 = tpu.memref_squeeze %dma_start3A_151 : memref<1x112xi32, #tpu.memory_space<vmem>> -> memref<112xi32, #tpu.memory_space<vmem>>
    %dma_start3A_153 = arith.constant 0 : i32
    %dma_start3A_154 = arith.constant 0 : i32
    %dma_start3A_155 = tpu.memref_slice %arg5[%dma_start3A_153, %dma_start3A_154] : memref<100000x128xf32, #tpu.memory_space<hbm>> -> memref<100000x128xf32, #tpu.memory_space<hbm>>
    tpu.enqueue_indirect_dma source(%arg8 : memref<112x128xf32, #tpu.memory_space<vmem>>) target(%dma_start3A_155 : memref<100000x128xf32, #tpu.memory_space<hbm>>) offsets(%dma_start3A_152 : memref<112xi32, #tpu.memory_space<vmem>>) semaphore(%arg10 : memref<!tpu.dma_semaphore, #tpu.memory_space<semaphore_mem>>)
    %dma_wait3A_156 = arith.constant 0 : i32
    %dma_wait3A_157 = arith.constant 0 : i32
    %dma_wait3A_158 = tpu.memref_slice %arg6[%dma_wait3A_156, %dma_wait3A_157] : memref<15x112xi32, #tpu.memory_space<vmem>> -> memref<1x112xi32, #tpu.memory_space<vmem>>
    %dma_wait3A_159 = tpu.memref_squeeze %dma_wait3A_158 : memref<1x112xi32, #tpu.memory_space<vmem>> -> memref<112xi32, #tpu.memory_space<vmem>>
    %dma_wait3A_160 = arith.constant 0 : i32
    %dma_wait3A_161 = arith.constant 0 : i32
    %dma_wait3A_162 = tpu.memref_slice %arg5[%dma_wait3A_160, %dma_wait3A_161] : memref<100000x128xf32, #tpu.memory_space<hbm>> -> memref<100000x128xf32, #tpu.memory_space<hbm>>
    tpu.wait_indirect_dma semaphore(%arg10 : memref<!tpu.dma_semaphore, #tpu.memory_space<semaphore_mem>>) src(%arg8 : memref<112x128xf32, #tpu.memory_space<vmem>>) dst(%dma_wait3A_162 : memref<100000x128xf32, #tpu.memory_space<hbm>>)
    %dma_wait3A_163 = arith.constant 1 : i32
    %dma_wait3A_164 = arith.constant 0 : i32
    %dma_wait3A_165 = tpu.memref_slice %arg6[%dma_wait3A_163, %dma_wait3A_164] : memref<15x112xi32, #tpu.memory_space<vmem>> -> memref<1x112xi32, #tpu.memory_space<vmem>>
    %dma_wait3A_166 = tpu.memref_squeeze %dma_wait3A_165 : memref<1x112xi32, #tpu.memory_space<vmem>> -> memref<112xi32, #tpu.memory_space<vmem>>
    %dma_wait3A_167 = arith.constant 0 : i32
    %dma_wait3A_168 = arith.constant 0 : i32
    %dma_wait3A_169 = tpu.memref_slice %arg5[%dma_wait3A_167, %dma_wait3A_168] : memref<100000x128xf32, #tpu.memory_space<hbm>> -> memref<100000x128xf32, #tpu.memory_space<hbm>>
    tpu.wait_indirect_dma semaphore(%arg10 : memref<!tpu.dma_semaphore, #tpu.memory_space<semaphore_mem>>) src(%arg8 : memref<112x128xf32, #tpu.memory_space<vmem>>) dst(%dma_wait3A_169 : memref<100000x128xf32, #tpu.memory_space<hbm>>)
    %dma_wait3A_170 = arith.constant 2 : i32
    %dma_wait3A_171 = arith.constant 0 : i32
    %dma_wait3A_172 = tpu.memref_slice %arg6[%dma_wait3A_170, %dma_wait3A_171] : memref<15x112xi32, #tpu.memory_space<vmem>> -> memref<1x112xi32, #tpu.memory_space<vmem>>
    %dma_wait3A_173 = tpu.memref_squeeze %dma_wait3A_172 : memref<1x112xi32, #tpu.memory_space<vmem>> -> memref<112xi32, #tpu.memory_space<vmem>>
    %dma_wait3A_174 = arith.constant 0 : i32
    %dma_wait3A_175 = arith.constant 0 : i32
    %dma_wait3A_176 = tpu.memref_slice %arg5[%dma_wait3A_174, %dma_wait3A_175] : memref<100000x128xf32, #tpu.memory_space<hbm>> -> memref<100000x128xf32, #tpu.memory_space<hbm>>
    tpu.wait_indirect_dma semaphore(%arg10 : memref<!tpu.dma_semaphore, #tpu.memory_space<semaphore_mem>>) src(%arg8 : memref<112x128xf32, #tpu.memory_space<vmem>>) dst(%dma_wait3A_176 : memref<100000x128xf32, #tpu.memory_space<hbm>>)
    %dma_wait3A_177 = arith.constant 3 : i32
    %dma_wait3A_178 = arith.constant 0 : i32
    %dma_wait3A_179 = tpu.memref_slice %arg6[%dma_wait3A_177, %dma_wait3A_178] : memref<15x112xi32, #tpu.memory_space<vmem>> -> memref<1x112xi32, #tpu.memory_space<vmem>>
    %dma_wait3A_180 = tpu.memref_squeeze %dma_wait3A_179 : memref<1x112xi32, #tpu.memory_space<vmem>> -> memref<112xi32, #tpu.memory_space<vmem>>
    %dma_wait3A_181 = arith.constant 0 : i32
    %dma_wait3A_182 = arith.constant 0 : i32
    %dma_wait3A_183 = tpu.memref_slice %arg5[%dma_wait3A_181, %dma_wait3A_182] : memref<100000x128xf32, #tpu.memory_space<hbm>> -> memref<100000x128xf32, #tpu.memory_space<hbm>>
    tpu.wait_indirect_dma semaphore(%arg10 : memref<!tpu.dma_semaphore, #tpu.memory_space<semaphore_mem>>) src(%arg8 : memref<112x128xf32, #tpu.memory_space<vmem>>) dst(%dma_wait3A_183 : memref<100000x128xf32, #tpu.memory_space<hbm>>)
    %dma_wait3A_184 = arith.constant 4 : i32
    %dma_wait3A_185 = arith.constant 0 : i32
    %dma_wait3A_186 = tpu.memref_slice %arg6[%dma_wait3A_184, %dma_wait3A_185] : memref<15x112xi32, #tpu.memory_space<vmem>> -> memref<1x112xi32, #tpu.memory_space<vmem>>
    %dma_wait3A_187 = tpu.memref_squeeze %dma_wait3A_186 : memref<1x112xi32, #tpu.memory_space<vmem>> -> memref<112xi32, #tpu.memory_space<vmem>>
    %dma_wait3A_188 = arith.constant 0 : i32
    %dma_wait3A_189 = arith.constant 0 : i32
    %dma_wait3A_190 = tpu.memref_slice %arg5[%dma_wait3A_188, %dma_wait3A_189] : memref<100000x128xf32, #tpu.memory_space<hbm>> -> memref<100000x128xf32, #tpu.memory_space<hbm>>
    tpu.wait_indirect_dma semaphore(%arg10 : memref<!tpu.dma_semaphore, #tpu.memory_space<semaphore_mem>>) src(%arg8 : memref<112x128xf32, #tpu.memory_space<vmem>>) dst(%dma_wait3A_190 : memref<100000x128xf32, #tpu.memory_space<hbm>>)
    %dma_wait3A_191 = arith.constant 5 : i32
    %dma_wait3A_192 = arith.constant 0 : i32
    %dma_wait3A_193 = tpu.memref_slice %arg6[%dma_wait3A_191, %dma_wait3A_192] : memref<15x112xi32, #tpu.memory_space<vmem>> -> memref<1x112xi32, #tpu.memory_space<vmem>>
    %dma_wait3A_194 = tpu.memref_squeeze %dma_wait3A_193 : memref<1x112xi32, #tpu.memory_space<vmem>> -> memref<112xi32, #tpu.memory_space<vmem>>
    %dma_wait3A_195 = arith.constant 0 : i32
    %dma_wait3A_196 = arith.constant 0 : i32
    %dma_wait3A_197 = tpu.memref_slice %arg5[%dma_wait3A_195, %dma_wait3A_196] : memref<100000x128xf32, #tpu.memory_space<hbm>> -> memref<100000x128xf32, #tpu.memory_space<hbm>>
    tpu.wait_indirect_dma semaphore(%arg10 : memref<!tpu.dma_semaphore, #tpu.memory_space<semaphore_mem>>) src(%arg8 : memref<112x128xf32, #tpu.memory_space<vmem>>) dst(%dma_wait3A_197 : memref<100000x128xf32, #tpu.memory_space<hbm>>)
    %dma_wait3A_198 = arith.constant 6 : i32
    %dma_wait3A_199 = arith.constant 0 : i32
    %dma_wait3A_200 = tpu.memref_slice %arg6[%dma_wait3A_198, %dma_wait3A_199] : memref<15x112xi32, #tpu.memory_space<vmem>> -> memref<1x112xi32, #tpu.memory_space<vmem>>
    %dma_wait3A_201 = tpu.memref_squeeze %dma_wait3A_200 : memref<1x112xi32, #tpu.memory_space<vmem>> -> memref<112xi32, #tpu.memory_space<vmem>>
    %dma_wait3A_202 = arith.constant 0 : i32
    %dma_wait3A_203 = arith.constant 0 : i32
    %dma_wait3A_204 = tpu.memref_slice %arg5[%dma_wait3A_202, %dma_wait3A_203] : memref<100000x128xf32, #tpu.memory_space<hbm>> -> memref<100000x128xf32, #tpu.memory_space<hbm>>
    tpu.wait_indirect_dma semaphore(%arg10 : memref<!tpu.dma_semaphore, #tpu.memory_space<semaphore_mem>>) src(%arg8 : memref<112x128xf32, #tpu.memory_space<vmem>>) dst(%dma_wait3A_204 : memref<100000x128xf32, #tpu.memory_space<hbm>>)
    %dma_wait3A_205 = arith.constant 7 : i32
    %dma_wait3A_206 = arith.constant 0 : i32
    %dma_wait3A_207 = tpu.memref_slice %arg6[%dma_wait3A_205, %dma_wait3A_206] : memref<15x112xi32, #tpu.memory_space<vmem>> -> memref<1x112xi32, #tpu.memory_space<vmem>>
    %dma_wait3A_208 = tpu.memref_squeeze %dma_wait3A_207 : memref<1x112xi32, #tpu.memory_space<vmem>> -> memref<112xi32, #tpu.memory_space<vmem>>
    %dma_wait3A_209 = arith.constant 0 : i32
    %dma_wait3A_210 = arith.constant 0 : i32
    %dma_wait3A_211 = tpu.memref_slice %arg5[%dma_wait3A_209, %dma_wait3A_210] : memref<100000x128xf32, #tpu.memory_space<hbm>> -> memref<100000x128xf32, #tpu.memory_space<hbm>>
    tpu.wait_indirect_dma semaphore(%arg10 : memref<!tpu.dma_semaphore, #tpu.memory_space<semaphore_mem>>) src(%arg8 : memref<112x128xf32, #tpu.memory_space<vmem>>) dst(%dma_wait3A_211 : memref<100000x128xf32, #tpu.memory_space<hbm>>)
    %dma_wait3A_212 = arith.constant 8 : i32
    %dma_wait3A_213 = arith.constant 0 : i32
    %dma_wait3A_214 = tpu.memref_slice %arg6[%dma_wait3A_212, %dma_wait3A_213] : memref<15x112xi32, #tpu.memory_space<vmem>> -> memref<1x112xi32, #tpu.memory_space<vmem>>
    %dma_wait3A_215 = tpu.memref_squeeze %dma_wait3A_214 : memref<1x112xi32, #tpu.memory_space<vmem>> -> memref<112xi32, #tpu.memory_space<vmem>>
    %dma_wait3A_216 = arith.constant 0 : i32
    %dma_wait3A_217 = arith.constant 0 : i32
    %dma_wait3A_218 = tpu.memref_slice %arg5[%dma_wait3A_216, %dma_wait3A_217] : memref<100000x128xf32, #tpu.memory_space<hbm>> -> memref<100000x128xf32, #tpu.memory_space<hbm>>
    tpu.wait_indirect_dma semaphore(%arg10 : memref<!tpu.dma_semaphore, #tpu.memory_space<semaphore_mem>>) src(%arg8 : memref<112x128xf32, #tpu.memory_space<vmem>>) dst(%dma_wait3A_218 : memref<100000x128xf32, #tpu.memory_space<hbm>>)
    %dma_wait3A_219 = arith.constant 9 : i32
    %dma_wait3A_220 = arith.constant 0 : i32
    %dma_wait3A_221 = tpu.memref_slice %arg6[%dma_wait3A_219, %dma_wait3A_220] : memref<15x112xi32, #tpu.memory_space<vmem>> -> memref<1x112xi32, #tpu.memory_space<vmem>>
    %dma_wait3A_222 = tpu.memref_squeeze %dma_wait3A_221 : memref<1x112xi32, #tpu.memory_space<vmem>> -> memref<112xi32, #tpu.memory_space<vmem>>
    %dma_wait3A_223 = arith.constant 0 : i32
    %dma_wait3A_224 = arith.constant 0 : i32
    %dma_wait3A_225 = tpu.memref_slice %arg5[%dma_wait3A_223, %dma_wait3A_224] : memref<100000x128xf32, #tpu.memory_space<hbm>> -> memref<100000x128xf32, #tpu.memory_space<hbm>>
    tpu.wait_indirect_dma semaphore(%arg10 : memref<!tpu.dma_semaphore, #tpu.memory_space<semaphore_mem>>) src(%arg8 : memref<112x128xf32, #tpu.memory_space<vmem>>) dst(%dma_wait3A_225 : memref<100000x128xf32, #tpu.memory_space<hbm>>)
    %dma_wait3A_226 = arith.constant 10 : i32
    %dma_wait3A_227 = arith.constant 0 : i32
    %dma_wait3A_228 = tpu.memref_slice %arg6[%dma_wait3A_226, %dma_wait3A_227] : memref<15x112xi32, #tpu.memory_space<vmem>> -> memref<1x112xi32, #tpu.memory_space<vmem>>
    %dma_wait3A_229 = tpu.memref_squeeze %dma_wait3A_228 : memref<1x112xi32, #tpu.memory_space<vmem>> -> memref<112xi32, #tpu.memory_space<vmem>>
    %dma_wait3A_230 = arith.constant 0 : i32
    %dma_wait3A_231 = arith.constant 0 : i32
    %dma_wait3A_232 = tpu.memref_slice %arg5[%dma_wait3A_230, %dma_wait3A_231] : memref<100000x128xf32, #tpu.memory_space<hbm>> -> memref<100000x128xf32, #tpu.memory_space<hbm>>
    tpu.wait_indirect_dma semaphore(%arg10 : memref<!tpu.dma_semaphore, #tpu.memory_space<semaphore_mem>>) src(%arg8 : memref<112x128xf32, #tpu.memory_space<vmem>>) dst(%dma_wait3A_232 : memref<100000x128xf32, #tpu.memory_space<hbm>>)
    %dma_wait3A_233 = arith.constant 11 : i32
    %dma_wait3A_234 = arith.constant 0 : i32
    %dma_wait3A_235 = tpu.memref_slice %arg6[%dma_wait3A_233, %dma_wait3A_234] : memref<15x112xi32, #tpu.memory_space<vmem>> -> memref<1x112xi32, #tpu.memory_space<vmem>>
    %dma_wait3A_236 = tpu.memref_squeeze %dma_wait3A_235 : memref<1x112xi32, #tpu.memory_space<vmem>> -> memref<112xi32, #tpu.memory_space<vmem>>
    %dma_wait3A_237 = arith.constant 0 : i32
    %dma_wait3A_238 = arith.constant 0 : i32
    %dma_wait3A_239 = tpu.memref_slice %arg5[%dma_wait3A_237, %dma_wait3A_238] : memref<100000x128xf32, #tpu.memory_space<hbm>> -> memref<100000x128xf32, #tpu.memory_space<hbm>>
    tpu.wait_indirect_dma semaphore(%arg10 : memref<!tpu.dma_semaphore, #tpu.memory_space<semaphore_mem>>) src(%arg8 : memref<112x128xf32, #tpu.memory_space<vmem>>) dst(%dma_wait3A_239 : memref<100000x128xf32, #tpu.memory_space<hbm>>)
    %dma_wait3A_240 = arith.constant 12 : i32
    %dma_wait3A_241 = arith.constant 0 : i32
    %dma_wait3A_242 = tpu.memref_slice %arg6[%dma_wait3A_240, %dma_wait3A_241] : memref<15x112xi32, #tpu.memory_space<vmem>> -> memref<1x112xi32, #tpu.memory_space<vmem>>
    %dma_wait3A_243 = tpu.memref_squeeze %dma_wait3A_242 : memref<1x112xi32, #tpu.memory_space<vmem>> -> memref<112xi32, #tpu.memory_space<vmem>>
    %dma_wait3A_244 = arith.constant 0 : i32
    %dma_wait3A_245 = arith.constant 0 : i32
    %dma_wait3A_246 = tpu.memref_slice %arg5[%dma_wait3A_244, %dma_wait3A_245] : memref<100000x128xf32, #tpu.memory_space<hbm>> -> memref<100000x128xf32, #tpu.memory_space<hbm>>
    tpu.wait_indirect_dma semaphore(%arg10 : memref<!tpu.dma_semaphore, #tpu.memory_space<semaphore_mem>>) src(%arg8 : memref<112x128xf32, #tpu.memory_space<vmem>>) dst(%dma_wait3A_246 : memref<100000x128xf32, #tpu.memory_space<hbm>>)
    %dma_wait3A_247 = arith.constant 13 : i32
    %dma_wait3A_248 = arith.constant 0 : i32
    %dma_wait3A_249 = tpu.memref_slice %arg6[%dma_wait3A_247, %dma_wait3A_248] : memref<15x112xi32, #tpu.memory_space<vmem>> -> memref<1x112xi32, #tpu.memory_space<vmem>>
    %dma_wait3A_250 = tpu.memref_squeeze %dma_wait3A_249 : memref<1x112xi32, #tpu.memory_space<vmem>> -> memref<112xi32, #tpu.memory_space<vmem>>
    %dma_wait3A_251 = arith.constant 0 : i32
    %dma_wait3A_252 = arith.constant 0 : i32
    %dma_wait3A_253 = tpu.memref_slice %arg5[%dma_wait3A_251, %dma_wait3A_252] : memref<100000x128xf32, #tpu.memory_space<hbm>> -> memref<100000x128xf32, #tpu.memory_space<hbm>>
    tpu.wait_indirect_dma semaphore(%arg10 : memref<!tpu.dma_semaphore, #tpu.memory_space<semaphore_mem>>) src(%arg8 : memref<112x128xf32, #tpu.memory_space<vmem>>) dst(%dma_wait3A_253 : memref<100000x128xf32, #tpu.memory_space<hbm>>)
    %dma_wait3A_254 = arith.constant 14 : i32
    %dma_wait3A_255 = arith.constant 0 : i32
    %dma_wait3A_256 = tpu.memref_slice %arg6[%dma_wait3A_254, %dma_wait3A_255] : memref<15x112xi32, #tpu.memory_space<vmem>> -> memref<1x112xi32, #tpu.memory_space<vmem>>
    %dma_wait3A_257 = tpu.memref_squeeze %dma_wait3A_256 : memref<1x112xi32, #tpu.memory_space<vmem>> -> memref<112xi32, #tpu.memory_space<vmem>>
    %dma_wait3A_258 = arith.constant 0 : i32
    %dma_wait3A_259 = arith.constant 0 : i32
    %dma_wait3A_260 = tpu.memref_slice %arg5[%dma_wait3A_258, %dma_wait3A_259] : memref<100000x128xf32, #tpu.memory_space<hbm>> -> memref<100000x128xf32, #tpu.memory_space<hbm>>
    tpu.wait_indirect_dma semaphore(%arg10 : memref<!tpu.dma_semaphore, #tpu.memory_space<semaphore_mem>>) src(%arg8 : memref<112x128xf32, #tpu.memory_space<vmem>>) dst(%dma_wait3A_260 : memref<100000x128xf32, #tpu.memory_space<hbm>>)
    return
  }
}

</mosaic_0001>

<sc_bundles>
// kernel: kernel.3.cloned.1.call-start
scs
__scs_entry_jumppad:
0x0: {  	(pc) =	sbr.rel $0x88, $3  }
0x1: {  	(tag) =	ssettag $0x0;
	lr =	simm.s32 $0x1  }
0x2: {  	[smem:$0x3F9F] =	sst lr;
	_ =	strace $0xD0000000  }
0x3: {  	_ = 	snop  }
0x4: {  	_ = 	snop  }
0x5: {  	_ = 	snop  }
0x6: {  	_ = 	snop  }
0x7: {  	_ = 	snop  }
__scs_overlays_trampoline_lowered:
0x8: {  	[smem:$0x3FAE] =	sst s0  }
0x9: {  	[smem:$0x3FAF] =	sst s1  }
0xa: {  	[smem:$0x3FB0] =	sst s2  }
0xb: {  	[smem:$0x3FB1] =	sst s3  }
0xc: {  	[smem:$0x3FB2] =	sst s4  }
0xd: {  	[smem:$0x3FB3] =	sst s5  }
0xe: {  	[smem:$0x3FB4] =	sst s6  }
0xf: {  	[smem:$0x3FB5] =	sst s7  }
0x10: {  	[smem:$0x3FB6] =	sst s8  }
0x11: {  	[smem:$0x3FB7] =	sst s9;
	s0 =	simm.s32 @!p0 $0x0  }
0x12: {  	s1 =	sld [smem:$0x3F9D];
	s0 =	simm.s32 @p0 $0x1  }
0x13: {  	[smem:$0x3FB8] =	sst s0;
	s0 =	simm.s32 @!p1 $0x0  }
0x14: {  	s2 =	sld [smem:$0x3F9C];
	s0 =	simm.s32 @p1 $0x1  }
0x15: {  	[smem:$0x3FB9] =	sst s0;
	s0 =	simm.s32 @!p2 $0x0  }
0x16: {  	s3 =	sld [smem:$0x3FDB];
	s0 =	simm.s32 @p2 $0x1  }
0x17: {  	s4 =	simm.s32 $0x1BF5;
	[smem:$0x3FBB] =	sst s0  }
0x18: {  	s0 =	sld [smem:$0x3F9E];
	_ =	swait.ge [sflag:s4], $0x0  }
0x19: {  	s7 =	sld [smem:$0x3F9F]  }
0x1a: {  	s8 =	sadd.s32 $0xFFFFE003, lr  }
0x1b: {  	s9 =	sadd.s32 $0xFFFFFEF7, lr;
	s5 =	simm.s32 $0xFFFFFFFF;
	p2 =	slt.u32 s8, $0xFFFFF086  }
0x1c: {  	p1 =	slt.u32 s9, $0xF7A;
	s5 =	simm.s32 @!p2 $0x0  }
0x1d: {  	s5 =	simm.s32 @p1 $0x1;
	p0 =	seq.s32 s7, s2  }
0x1e: {  	s7 =	smul.u32 @!p0 $0xF7A, s2;
	p2 =	seq.s32 @!p0 s5, $0x0  }
0x1f: {  	s9 =	smul.u32 $0xF7A, s1;
	s8 =	simm.s32 @!p0 $0x1BF5;
	p2 =	por !p2, p0  }
0x20: {  	[sflag:s8] =	ssyncset.s32 @!p0 $0xFFFFF086;
	s6 =	sadd.s32 @!p0 s3, s7;
	s7 =	simm.s32 @!p0 $0x108  }
0x21: {  	s3 =	sadd.s32 s3, s9;
	s6 =	sadd.s32 @!p0 $0x88, s6;
	s7 =	simm.s32 @p2 $0x1082  }
0x22: {  	[simem:s7], [sflag:s8] =	dma.local @!p0 [hbm:s6], $0xF7A  }
0x23: {  	s9 =	sor.u32 $0xD0000000, s2;
	s6 =	simm.s32 $0x108;
	_ =	swait.ge @!p0 [sflag:s8], $0x0  }
0x24: {  	s3 =	sadd.s32 $0x88, s3;
	s6 =	simm.s32 @!p1 $0x1082;
	[sflag:s4] =	ssyncset.s32 $0xFFFFF086  }
0x25: {  	[simem:s6], [sflag:s4] =	dma.local [hbm:s3], $0xF7A  }
0x26: {  	[smem:$0x3F9F] =	sst s1;
	(tag) =	ssettag s2;
	_ =	strace s9  }
0x27: {  	s1 =	sld [smem:$0x3FAF]  }
0x28: {  	s2 =	sld [smem:$0x3FB0]  }
0x29: {  	s4 =	sld [smem:$0x3FB2]  }
0x2a: {  	p0 =	seq.s32 s5, $0x0;
	s5 =	sld [smem:$0x3FB3]  }
0x2b: {  	s6 =	sld [smem:$0x3FB4]  }
0x2c: {  	s7 =	sld [smem:$0x3FB5]  }
0x2d: {  	s3 =	simm.s32 $0x108;
	s8 =	sld [smem:$0x3FB6]  }
0x2e: {  	s3 =	simm.s32 @!p0 $0x1082;
	s9 =	sld [smem:$0x3FB7]  }
0x2f: {  	lr =	sadd.s32 s0, s3;
	s0 =	sld [smem:$0x3FAE]  }
0x30: {  	s3 =	sld [smem:$0x3FB1]  }
0x31: {  	[smem:$0x3FBA] =	sst s10  }
0x32: {  	s10 =	sld [smem:$0x3FB8];
	_ =	sdelay $0x3  }
0x33: {  	p0 =	seq.s32 s10, $0x1;
	s10 =	sld [smem:$0x3FBA];
	_ =	sdelay $0x3  }
0x34: {  	[smem:$0x3FBA] =	sst s10  }
0x35: {  	s10 =	sld [smem:$0x3FB9];
	_ =	sdelay $0x3  }
0x36: {  	p1 =	seq.s32 s10, $0x1;
	s10 =	sld [smem:$0x3FBA];
	_ =	sdelay $0x3  }
0x37: {  	[smem:$0x3FBA] =	sst s10  }
0x38: {  	s10 =	sld [smem:$0x3FBB]  }
0x39: {  	_ = 	snop;
	(pc) =	sbr.ind lr, $3  }
0x3a: {  	_ = 	snop  }
0x3b: {  	_ = 	snop  }
0x3c: {  	p2 =	seq.s32 s10, $0x1;
	s10 =	sld [smem:$0x3FBA]  }
0x3d: {  	_ =	shalt  }
0x3e: {  	_ =	shalt  }
0x3f: {  	_ =	shalt  }
0x40: {  	_ =	shalt  }
0x41: {  	_ =	shalt  }
0x42: {  	_ =	shalt  }
0x43: {  	_ =	shalt  }
0x44: {  	_ =	shalt  }
0x45: {  	_ =	shalt  }
0x46: {  	_ =	shalt  }
0x47: {  	_ =	shalt  }
0x48: {  	_ =	shalt  }
0x49: {  	_ =	shalt  }
0x4a: {  	_ =	shalt  }
0x4b: {  	_ =	shalt  }
0x4c: {  	_ =	shalt  }
0x4d: {  	_ =	shalt  }
0x4e: {  	_ =	shalt  }
0x4f: {  	_ =	shalt  }
0x50: {  	_ =	shalt  }
0x51: {  	_ =	shalt  }
0x52: {  	_ =	shalt  }
0x53: {  	_ =	shalt  }
0x54: {  	_ =	shalt  }
0x55: {  	_ =	shalt  }
0x56: {  	_ =	shalt  }
0x57: {  	_ =	shalt  }
0x58: {  	_ =	shalt  }
0x59: {  	_ =	shalt  }
0x5a: {  	_ =	shalt  }
0x5b: {  	_ =	shalt  }
0x5c: {  	_ =	shalt  }
0x5d: {  	_ =	shalt  }
0x5e: {  	_ =	shalt  }
0x5f: {  	_ =	shalt  }
0x60: {  	_ =	shalt  }
0x61: {  	_ =	shalt  }
0x62: {  	_ =	shalt  }
0x63: {  	_ =	shalt  }
0x64: {  	_ =	shalt  }
0x65: {  	_ =	shalt  }
0x66: {  	_ =	shalt  }
0x67: {  	_ =	shalt  }
0x68: {  	_ =	shalt  }
0x69: {  	_ =	shalt  }
0x6a: {  	_ =	shalt  }
0x6b: {  	_ =	shalt  }
0x6c: {  	_ =	shalt  }
0x6d: {  	_ =	shalt  }
0x6e: {  	_ =	shalt  }
0x6f: {  	_ =	shalt  }
0x70: {  	_ =	shalt  }
0x71: {  	_ =	shalt  }
0x72: {  	_ =	shalt  }
0x73: {  	_ =	shalt  }
0x74: {  	_ =	shalt  }
0x75: {  	_ =	shalt  }
0x76: {  	_ =	shalt  }
0x77: {  	_ =	shalt  }
0x78: {  	_ =	shalt  }
0x79: {  	_ =	shalt  }
0x7a: {  	_ =	shalt  }
0x7b: {  	_ =	shalt  }
0x7c: {  	_ =	shalt  }
0x7d: {  	_ =	shalt  }
0x7e: {  	_ =	shalt  }
0x7f: {  	_ =	shalt  }
0x80: {  	_ =	shalt  }
0x81: {  	_ =	shalt  }
0x82: {  	_ =	shalt  }
0x83: {  	_ =	shalt  }
0x84: {  	_ =	shalt  }
0x85: {  	_ =	shalt  }
0x86: {  	_ =	shalt  }
0x87: {  	_ =	shalt  }
.Lfunc_end0:
.L_simem_size_0:
called_computation_lowered:
.L_overlay_start_0:
0x88: {  	s2 =	sld [smem:$0x3FD9]  }
0x89: {  	s3 =	sld [smem:$0x3FFE];
	_ =	sdelay $0x1  }
0x8a: {  	s1 =	srdreg.scid  }
0x8b: {  	s0 =	sand.u32 $0x1, s1  }
0x8c: {  	s14 =	sshll.u32 s0, $0xA;
	s2 =	sadd.s32 s3, s2  }
0x8d: {  	s2 =	sadd.s32 s2, s14  }
0x8e: {  	[smem:$0x3FC6] =	sst s2  }
0x8f: {  	_ = 	snop  }
0x90: {  	s2 =	sld [smem:$0x3FD0];
	_ =	sdelay $0x1  }
0x91: {  	s15 =	sld [smem:$0x3FC9]  }
0x92: {  	s5 =	simm.s32 $0xA;
	s6 =	simm.s32 $0x10;
	s4 =	sld [smem:$0x3FC8]  }
0x93: {  	[smem:s6], [sflag:s5] =	dma.local [hbm:s2], $0x1  }
0x94: {  	_ =	swait.eq [sflag:s5], $0x1  }
0x95: {  	[sflag:s5] =	ssyncset.done $0x0  }
0x96: {  	[sflag:s5] =	ssyncadd.s32 $0xFFFFFFFF  }
0x97: {  	s16 =	sld [smem:$0x10];
	(tm) =	ssettm $0x1  }
0x98: {  	s17 =	sld [smem:$0x3FFB];
	_ =	sdelay $0x3  }
0x99: {  	_ =	strace s17  }
0x9a: {  	s5 =	sld [smem:$0x3FFC];
	_ =	sdelay $0x3  }
0x9b: {  	_ =	strace s5  }
0x9c: {  	s5 =	sld [smem:$0x3FFD];
	_ =	sdelay $0x3  }
0x9d: {  	_ =	strace s5  }
0x9e: {  	_ =	strace $0x8FFFFFFF  }
0x9f: {  	s18 =	sld [smem:$0x3FDB];
	_ =	sdelay $0x1  }
0xa0: {  	s19 =	simm.s32 $_scs_section_size  }
0xa1: {  	s7 =	simm.s32 $_size__tile_overlayer_lowered;
	s8 =	simm.s32 $_tile_overlayer_lowered  }
0xa2: {  	s22 =	simm.s32 $0x1BFF;
	s21 =	sshll.u32 s8, $0x1;
	s5 =	sadd.s32 s19, s18  }
0xa3: {  	s9 =	simm.s32 $0x0;
	s20 =	sshll.u32 s7, $0x1;
	s7 =	sadd.s32 s21, s5  }
0xa4: {  	[timem:s9], [sflag:s22] =	dma.local [hbm:s7], s20  }
0xa5: {  	_ =	swait.ge [sflag:s22], s20  }
0xa6: {  	s6 =	ssub.s32 $0x0, s20;
	[sflag:s22] =	ssyncset.done $0x0  }
0xa7: {  	[sflag:s22] =	ssyncadd.s32 s6;
	_ =	sdelay $0x1  }
0xa8: {  	s23 =	simm.s32 $0x1B8B  }
0xa9: {  	_ =	swait.ge [sflag:s23], $0x1  }
0xaa: {  	[sflag:s23] =	ssyncset.done $0x0  }
0xab: {  	s25 =	simm.s32 $0x1B8E;
	s24 =	sld [smem:$0x3FFE];
	[sflag:s23] =	ssyncadd.s32 $0xFFFFFFFF  }
0xac: {  	s26 =	simm.s32 $execute0_lowered;
	[smem:$0x3FD2] =	sst s25  }
0xad: {  	s7 =	sshll.u32 s26, $0x1;
	_ =	strace $0x80000046;
	[dreg:$0x1] =	wrdreg $0xFFFFFFFF  }
0xae: {  	s28 =	simm.s32 $_size_execute0_lowered;
	s5 =	sadd.s32 s5, s7;
	[dreg:$0x0] =	wrdreg $0x0  }
0xaf: {  	s7 =	sshll.u32 s28, $0x1;
	[dreg:$0x2] =	wrdreg s5  }
0xb0: {  	[dreg:$0x3] =	wrdreg s7  }
0xb1: {  	[dreg:$0x4] =	wrdreg $0xC0  }
0xb2: {  	_ =	task [dreg:s9], $0x5FFFF  }
0xb3: {  	[dreg:$0x1] =	wrdreg $0xFFFFFFFF  }
0xb4: {  	[dreg:$0x0] =	wrdreg $0x60  }
0xb5: {  	[dreg:$0x2] =	wrdreg s15  }
0xb6: {  	[dreg:$0x3] =	wrdreg s4  }
0xb7: {  	[dreg:$0x4] =	wrdreg s24  }
0xb8: {  	[dreg:$0x5] =	wrdreg s16  }
0xb9: {  	[dreg:$0x6] =	wrdreg $0x9  }
0xba: {  	_ =	task.clear_ibuf [dreg:s9], $0x7FFFF;
	_ =	strace $0x90000046  }
0xbb: {  	s29 =	simm.s32 $0x9;
	_ =	strace $0x80000048  }
0xbc: {  	_ =	swait.ge [sflag:s29], $0x1  }
0xbd: {  	[sflag:s29] =	ssyncadd.s32 $0xFFFFFFFF  }
0xbe: {  	_ =	strace $0x90000048  }
0xbf: {  	_ =	sfence  }
0xc0: {  	s30 =	sld [smem:$0x0];
	_ =	sdelay $0x2  }
0xc1: {  	s31 =	sshll.u32 s1, $0xD;
	s1 =	sshrl.u32 s1, $0x2  }
0xc2: {  	s3 =	sand.u32 $0x4000, s31;
	s1 =	sadd.s32 s1, s30  }
0xc3: {  	s0 =	sor.u32 s3, s0;
	s1 =	sshll.u32 s1, $0x11  }
0xc4: {  	s0 =	sor.u32 s1, s0  }
0xc5: {  	s0 =	sadd.s32 $0x8F2B, s0  }
0xc6: {  	[sflag:s0] =	ssyncadd.remote.s32 $0x1  }
0xc7: {  	_ =	sfence.sel $0xFFFF  }
0xc8: {  	[dreg:$0x0] =	wrdreg $0xFFFFFFFF;
	(pc) =	sbr.abs _section_cstart, $3  }
0xc9: {  	[dreg:$0x1] =	wrdreg $0xFFFFFFFF  }
0xca: {  	_ =	task.clear_ibuf [dreg:s9], $0x2FFFF;
	_ =	strace $0x9FFFFFFF  }
0xcb: {  	(tm) =	ssettm $0x7FFFFFFF  }
tec
execute0_lowered:
.L_overlay_start_1:
0x0: {  	(tag) =	ssettag $0x1  }
0x1: {  	s4 =	rddreg [dreg:$0x0]  }
0x2: {  	s0 =	rddreg [dreg:$0x1];
	s1 =	srdreg.scid  }
0x3: {  	[dreg:$0x5] =	wrdreg s0;
	s0 =	stileid.u32  }
0x4: {  	s7 =	rddreg [dreg:$0x2];
	s1 =	sand.u32 $0x1, s1;
	s3 =	sshll.u32 s0, $0x1  }
0x5: {  	s2 =	rddreg [dreg:$0x3];
	s8 =	sor.u32 s1, s3;
	s3 =	simm.s32 $0x0  }
0x6: {  	s10 =	simm.s32 $0x3;
	s9 =	smul.u32 $0xC380, s8;
	[smem:$0x7FF] =	sst s3  }
0x7: {  	p0 =	seq.s32 s8, $0x1F;
	s8 =	sshll.u32 s8, $0x8;
	_ =	strace $0x80000047  }
0x8: {  	s6 =	sshll.u32 @p0 s0, $0x6;
	s8 =	sadd.s32 s8, s7;
	s5 =	sadd.s32 s4, s9  }
0x9: {  	s4 =	sadd.s32 $0x17AC80, s4;
	s6 =	sor.u32 @p0 $0x1C01, s6;
	s7 =	sadd.s32 s2, s9  }
0xa: {  	s9 =	sshll.u32 @!p0 s0, $0x6;
	[dreg:$0x6] =	wrdreg s5;
	s5 =	sadd.s32 $0x17AC80, s2  }
0xb: {  	[hbm:s5], [sflag:s6] =	dma.local @p0 [hbm:s4], $0xBD80  }
0xc: {  	s8 =	sadd.s32 $0x800, s8;
	s9 =	sor.u32 @!p0 $0x1C01, s9;
	s11 =	rddreg [dreg:$0x6]  }
0xd: {  	[hbm:s7], [sflag:s9] =	dma.local @!p0 [hbm:s11], $0xC380  }
0xe: {  	[tilespmem:s3], [sflag:$0x3] =	stream.linear.gather [hbm4b:s8+s3], $0x780, $0x38;
	[tilespmem:$0x4080] =	vst v63  }
0xf: {  	_ =	swait.ge [sflag:s10], $0x780  }
0x10: {  	[sflag:s10] =	ssyncset.done $0x0  }
0x11: {  	v0 =	vimm.s32 $0x0;
	[sflag:s10] =	ssyncadd.s32 $0xFFFFF880  }
0x12: {  	[tilespmem:$0x860] =	vst v0  }
0x13: {  	[tilespmem:$0x850] =	vst v0  }
0x14: {  	[tilespmem:$0x840] =	vst v0  }
0x15: {  	[tilespmem:$0x830] =	vst v0  }
0x16: {  	[tilespmem:$0x820] =	vst v0  }
0x17: {  	s12 =	simm.s32 $0x70;
	s13 =	simm.s32 $0x800;
	[tilespmem:$0x800] =	vst v0  }
0x18: {  	s14 =	simm.s32 $0x880;
	s11 =	simm.s32 $0x2;
	s15 =	rddreg [dreg:$0x5];
	[tilespmem:$0x810] =	vst v0  }
0x19: {  	[tilespmem:s14], [sflag:$0x2] =	stream.indirect.gather [hbm4b:s15+s12], $0x80, s13, s12, $0xb8;
	[tilespmem:$0x4080] =	vst v63  }
0x1a: {  	_ =	swait.ge [sflag:s11], $0x3800  }
0x1b: {  	[sflag:s11] =	ssyncset.done $0x0  }
0x1c: {  	s15 =	simm.s32 @p0 $0x1;
	[sflag:s11] =	ssyncadd.s32 $0xFFFFC800  }
0x1d: {  	_ =	swait.ge @p0 [sflag:s15], $0xBD80  }
0x1e: {  	[sflag:s15] =	ssyncset.done @p0 $0x0  }
0x1f: {  	s16 =	simm.s32 @!p0 $0x1;
	[sflag:s15] =	ssyncadd.s32 @p0 $0xFFFF4280  }
0x20: {  	_ =	swait.ge @!p0 [sflag:s16], $0xC380  }
0x21: {  	[sflag:s16] =	ssyncset.done @!p0 $0x0  }
0x22: {  	[sflag:s16] =	ssyncadd.s32 @!p0 $0xFFFF3C80  }
0x23: {  	[hbm4b:s2+s12] =	stream.indirect.scatter [tilespmem:s14], [sflag:$0x2], $0x80, s3, s12, $0xb8;
	[tilespmem:$0x4080] =	vst v63  }
0x24: {  	s17 =	simm.s32 $0x80  }
0x25: {  	[hbm4b:s2+s12] =	stream.indirect.scatter [tilespmem:s14], [sflag:$0x2], $0x80, s17, s12, $0xb8;
	[tilespmem:$0x4080] =	vst v63  }
0x26: {  	s18 =	simm.s32 $0x100  }
0x27: {  	[hbm4b:s2+s12] =	stream.indirect.scatter [tilespmem:s14], [sflag:$0x2], $0x80, s18, s12, $0xb8;
	[tilespmem:$0x4080] =	vst v63  }
0x28: {  	s19 =	simm.s32 $0x180  }
0x29: {  	[hbm4b:s2+s12] =	stream.indirect.scatter [tilespmem:s14], [sflag:$0x2], $0x80, s19, s12, $0xb8;
	[tilespmem:$0x4080] =	vst v63  }
0x2a: {  	s20 =	simm.s32 $0x200  }
0x2b: {  	[hbm4b:s2+s12] =	stream.indirect.scatter [tilespmem:s14], [sflag:$0x2], $0x80, s20, s12, $0xb8;
	[tilespmem:$0x4080] =	vst v63  }
0x2c: {  	s21 =	simm.s32 $0x280  }
0x2d: {  	[hbm4b:s2+s12] =	stream.indirect.scatter [tilespmem:s14], [sflag:$0x2], $0x80, s21, s12, $0xb8;
	[tilespmem:$0x4080] =	vst v63  }
0x2e: {  	s22 =	simm.s32 $0x300  }
0x2f: {  	[hbm4b:s2+s12] =	stream.indirect.scatter [tilespmem:s14], [sflag:$0x2], $0x80, s22, s12, $0xb8;
	[tilespmem:$0x4080] =	vst v63  }
0x30: {  	s23 =	simm.s32 $0x380  }
0x31: {  	[hbm4b:s2+s12] =	stream.indirect.scatter [tilespmem:s14], [sflag:$0x2], $0x80, s23, s12, $0xb8;
	[tilespmem:$0x4080] =	vst v63  }
0x32: {  	s24 =	simm.s32 $0x400  }
0x33: {  	[hbm4b:s2+s12] =	stream.indirect.scatter [tilespmem:s14], [sflag:$0x2], $0x80, s24, s12, $0xb8;
	[tilespmem:$0x4080] =	vst v63  }
0x34: {  	s25 =	simm.s32 $0x480  }
0x35: {  	[hbm4b:s2+s12] =	stream.indirect.scatter [tilespmem:s14], [sflag:$0x2], $0x80, s25, s12, $0xb8;
	[tilespmem:$0x4080] =	vst v63  }
0x36: {  	s26 =	simm.s32 $0x500  }
0x37: {  	[hbm4b:s2+s12] =	stream.indirect.scatter [tilespmem:s14], [sflag:$0x2], $0x80, s26, s12, $0xb8;
	[tilespmem:$0x4080] =	vst v63  }
0x38: {  	s28 =	simm.s32 $0x580  }
0x39: {  	[hbm4b:s2+s12] =	stream.indirect.scatter [tilespmem:s14], [sflag:$0x2], $0x80, s28, s12, $0xb8;
	[tilespmem:$0x4080] =	vst v63  }
0x3a: {  	s29 =	simm.s32 $0x600  }
0x3b: {  	[hbm4b:s2+s12] =	stream.indirect.scatter [tilespmem:s14], [sflag:$0x2], $0x80, s29, s12, $0xb8;
	[tilespmem:$0x4080] =	vst v63  }
0x3c: {  	s30 =	simm.s32 $0x680  }
0x3d: {  	[hbm4b:s2+s12] =	stream.indirect.scatter [tilespmem:s14], [sflag:$0x2], $0x80, s30, s12, $0xb8;
	[tilespmem:$0x4080] =	vst v63  }
0x3e: {  	s31 =	simm.s32 $0x700  }
0x3f: {  	[hbm4b:s2+s12] =	stream.indirect.scatter [tilespmem:s14], [sflag:$0x2], $0x80, s31, s12, $0xb8;
	[tilespmem:$0x4080] =	vst v63  }
0x40: {  	_ =	swait.ge [sflag:s11], $0x3800  }
0x41: {  	[sflag:s11] =	ssyncset.done $0x0  }
0x42: {  	[sflag:s11] =	ssyncadd.s32 $0xFFFFC800  }
0x43: {  	_ =	swait.ge [sflag:s11], $0x3800  }
0x44: {  	[sflag:s11] =	ssyncset.done $0x0  }
0x45: {  	[sflag:s11] =	ssyncadd.s32 $0xFFFFC800  }
0x46: {  	_ =	swait.ge [sflag:s11], $0x3800  }
0x47: {  	[sflag:s11] =	ssyncset.done $0x0  }
0x48: {  	[sflag:s11] =	ssyncadd.s32 $0xFFFFC800  }
0x49: {  	_ =	swait.ge [sflag:s11], $0x3800  }
0x4a: {  	[sflag:s11] =	ssyncset.done $0x0  }
0x4b: {  	[sflag:s11] =	ssyncadd.s32 $0xFFFFC800  }
0x4c: {  	_ =	swait.ge [sflag:s11], $0x3800  }
0x4d: {  	[sflag:s11] =	ssyncset.done $0x0  }
0x4e: {  	[sflag:s11] =	ssyncadd.s32 $0xFFFFC800  }
0x4f: {  	_ =	swait.ge [sflag:s11], $0x3800  }
0x50: {  	[sflag:s11] =	ssyncset.done $0x0  }
0x51: {  	[sflag:s11] =	ssyncadd.s32 $0xFFFFC800  }
0x52: {  	_ =	swait.ge [sflag:s11], $0x3800  }
0x53: {  	[sflag:s11] =	ssyncset.done $0x0  }
0x54: {  	[sflag:s11] =	ssyncadd.s32 $0xFFFFC800  }
0x55: {  	_ =	swait.ge [sflag:s11], $0x3800  }
0x56: {  	[sflag:s11] =	ssyncset.done $0x0  }
0x57: {  	[sflag:s11] =	ssyncadd.s32 $0xFFFFC800  }
0x58: {  	_ =	swait.ge [sflag:s11], $0x3800  }
0x59: {  	[sflag:s11] =	ssyncset.done $0x0  }
0x5a: {  	[sflag:s11] =	ssyncadd.s32 $0xFFFFC800  }
0x5b: {  	s1 =	ssub.s32 $0x2, s1;
	_ =	swait.ge [sflag:s11], $0x3800  }
0x5c: {  	s0 =	sshrl.u32 s1, $0x1;
	[sflag:s11] =	ssyncset.done $0x0  }
0x5d: {  	s0 =	ssub.s32 s1, s0;
	[sflag:s11] =	ssyncadd.s32 $0xFFFFC800  }
0x5e: {  	s0 =	smax.u32 s0, $0x1;
	_ =	swait.ge [sflag:s11], $0x3800  }
0x5f: {  	s1 =	sadd.s32 $0xFFFFFFFF, s0;
	[sflag:s11] =	ssyncset.done $0x0  }
0x60: {  	p1 =	sne.s32 s1, $0x0;
	[sflag:s11] =	ssyncadd.s32 $0xFFFFC800  }
.Ltmp0:
0x61: {  	_ =	swait.ge [sflag:s11], $0x3800;
	(pc) =	sbr.rel @!p1 .LBB2_2-.Ltmp0, $4  }
0x62: {  	[sflag:s11] =	ssyncset.done $0x0  }
0x63: {  	[sflag:s11] =	ssyncadd.s32 $0xFFFFC800  }
0x64: {  	_ =	swait.ge [sflag:s11], $0x3800  }
0x65: {  	[sflag:s11] =	ssyncset.done $0x0  }
.LBB2_1:
0x66: {  	[sflag:s11] =	ssyncadd.s32 $0xFFFFC800  }
0x67: {  	_ =	swait.ge [sflag:s11], $0x3800  }
0x68: {  	[sflag:s11] =	ssyncset.done $0x0  }
0x69: {  	[sflag:s11] =	ssyncadd.s32 $0xFFFFC800  }
0x6a: {  	_ =	swait.ge [sflag:s11], $0x3800  }
0x6b: {  	[sflag:s11] =	ssyncset.done $0x0  }
0x6c: {  	[sflag:s11] =	ssyncadd.s32 $0xFFFFC800  }
0x6d: {  	[hbm:s5], [sflag:s6] =	dma.local @p0 [hbm:s4], $0xBD80  }
0x6e: {  	s0 =	rddreg [dreg:$0x6]  }
0x6f: {  	[hbm:s7], [sflag:s9] =	dma.local @!p0 [hbm:s0], $0xC380  }
0x70: {  	[tilespmem:s3], [sflag:$0x3] =	stream.linear.gather [hbm4b:s8+s3], $0x780, $0x38;
	[tilespmem:$0x4080] =	vst v63  }
0x71: {  	_ =	swait.ge [sflag:s10], $0x780  }
0x72: {  	[sflag:s10] =	ssyncset.done $0x0  }
0x73: {  	[sflag:s10] =	ssyncadd.s32 $0xFFFFF880  }
0x74: {  	[tilespmem:$0x860] =	vst v0  }
0x75: {  	[tilespmem:$0x850] =	vst v0  }
0x76: {  	[tilespmem:$0x840] =	vst v0  }
0x77: {  	[tilespmem:$0x830] =	vst v0  }
0x78: {  	[tilespmem:$0x820] =	vst v0  }
0x79: {  	[tilespmem:$0x800] =	vst v0  }
0x7a: {  	s0 =	rddreg [dreg:$0x5];
	[tilespmem:$0x810] =	vst v0  }
0x7b: {  	[tilespmem:s14], [sflag:$0x2] =	stream.indirect.gather [hbm4b:s0+s12], $0x80, s13, s12, $0xb8;
	[tilespmem:$0x4080] =	vst v63  }
0x7c: {  	_ =	swait.ge [sflag:s11], $0x3800  }
0x7d: {  	[sflag:s11] =	ssyncset.done $0x0  }
0x7e: {  	[sflag:s11] =	ssyncadd.s32 $0xFFFFC800  }
0x7f: {  	_ =	swait.ge @p0 [sflag:s15], $0xBD80  }
0x80: {  	[sflag:s15] =	ssyncset.done @p0 $0x0  }
0x81: {  	[sflag:s15] =	ssyncadd.s32 @p0 $0xFFFF4280  }
0x82: {  	_ =	swait.ge @!p0 [sflag:s16], $0xC380  }
0x83: {  	[sflag:s16] =	ssyncset.done @!p0 $0x0  }
0x84: {  	[sflag:s16] =	ssyncadd.s32 @!p0 $0xFFFF3C80  }
0x85: {  	[hbm4b:s2+s12] =	stream.indirect.scatter [tilespmem:s14], [sflag:$0x2], $0x80, s3, s12, $0xb8;
	[tilespmem:$0x4080] =	vst v63  }
0x86: {  	_ = 	snop  }
0x87: {  	[hbm4b:s2+s12] =	stream.indirect.scatter [tilespmem:s14], [sflag:$0x2], $0x80, s17, s12, $0xb8;
	[tilespmem:$0x4080] =	vst v63  }
0x88: {  	_ = 	snop  }
0x89: {  	[hbm4b:s2+s12] =	stream.indirect.scatter [tilespmem:s14], [sflag:$0x2], $0x80, s18, s12, $0xb8;
	[tilespmem:$0x4080] =	vst v63  }
0x8a: {  	_ = 	snop  }
0x8b: {  	[hbm4b:s2+s12] =	stream.indirect.scatter [tilespmem:s14], [sflag:$0x2], $0x80, s19, s12, $0xb8;
	[tilespmem:$0x4080] =	vst v63  }
0x8c: {  	_ = 	snop  }
0x8d: {  	[hbm4b:s2+s12] =	stream.indirect.scatter [tilespmem:s14], [sflag:$0x2], $0x80, s20, s12, $0xb8;
	[tilespmem:$0x4080] =	vst v63  }
0x8e: {  	_ = 	snop  }
0x8f: {  	[hbm4b:s2+s12] =	stream.indirect.scatter [tilespmem:s14], [sflag:$0x2], $0x80, s21, s12, $0xb8;
	[tilespmem:$0x4080] =	vst v63  }
0x90: {  	_ = 	snop  }
0x91: {  	[hbm4b:s2+s12] =	stream.indirect.scatter [tilespmem:s14], [sflag:$0x2], $0x80, s22, s12, $0xb8;
	[tilespmem:$0x4080] =	vst v63  }
0x92: {  	_ = 	snop  }
0x93: {  	[hbm4b:s2+s12] =	stream.indirect.scatter [tilespmem:s14], [sflag:$0x2], $0x80, s23, s12, $0xb8;
	[tilespmem:$0x4080] =	vst v63  }
0x94: {  	_ = 	snop  }
0x95: {  	[hbm4b:s2+s12] =	stream.indirect.scatter [tilespmem:s14], [sflag:$0x2], $0x80, s24, s12, $0xb8;
	[tilespmem:$0x4080] =	vst v63  }
0x96: {  	_ = 	snop  }
0x97: {  	[hbm4b:s2+s12] =	stream.indirect.scatter [tilespmem:s14], [sflag:$0x2], $0x80, s25, s12, $0xb8;
	[tilespmem:$0x4080] =	vst v63  }
0x98: {  	_ = 	snop  }
0x99: {  	[hbm4b:s2+s12] =	stream.indirect.scatter [tilespmem:s14], [sflag:$0x2], $0x80, s26, s12, $0xb8;
	[tilespmem:$0x4080] =	vst v63  }
0x9a: {  	_ = 	snop  }
0x9b: {  	[hbm4b:s2+s12] =	stream.indirect.scatter [tilespmem:s14], [sflag:$0x2], $0x80, s28, s12, $0xb8;
	[tilespmem:$0x4080] =	vst v63  }
0x9c: {  	_ = 	snop  }
0x9d: {  	[hbm4b:s2+s12] =	stream.indirect.scatter [tilespmem:s14], [sflag:$0x2], $0x80, s29, s12, $0xb8;
	[tilespmem:$0x4080] =	vst v63  }
0x9e: {  	_ = 	snop  }
0x9f: {  	[hbm4b:s2+s12] =	stream.indirect.scatter [tilespmem:s14], [sflag:$0x2], $0x80, s30, s12, $0xb8;
	[tilespmem:$0x4080] =	vst v63  }
0xa0: {  	_ = 	snop  }
0xa1: {  	[hbm4b:s2+s12] =	stream.indirect.scatter [tilespmem:s14], [sflag:$0x2], $0x80, s31, s12, $0xb8;
	[tilespmem:$0x4080] =	vst v63  }
0xa2: {  	_ =	swait.ge [sflag:s11], $0x3800  }
0xa3: {  	[sflag:s11] =	ssyncset.done $0x0  }
0xa4: {  	[sflag:s11] =	ssyncadd.s32 $0xFFFFC800  }
0xa5: {  	_ =	swait.ge [sflag:s11], $0x3800  }
0xa6: {  	[sflag:s11] =	ssyncset.done $0x0  }
0xa7: {  	[sflag:s11] =	ssyncadd.s32 $0xFFFFC800  }
0xa8: {  	_ =	swait.ge [sflag:s11], $0x3800  }
0xa9: {  	[sflag:s11] =	ssyncset.done $0x0  }
0xaa: {  	[sflag:s11] =	ssyncadd.s32 $0xFFFFC800  }
0xab: {  	_ =	swait.ge [sflag:s11], $0x3800  }
0xac: {  	[sflag:s11] =	ssyncset.done $0x0  }
0xad: {  	[sflag:s11] =	ssyncadd.s32 $0xFFFFC800  }
0xae: {  	_ =	swait.ge [sflag:s11], $0x3800  }
0xaf: {  	[sflag:s11] =	ssyncset.done $0x0  }
0xb0: {  	[sflag:s11] =	ssyncadd.s32 $0xFFFFC800  }
0xb1: {  	_ =	swait.ge [sflag:s11], $0x3800  }
0xb2: {  	[sflag:s11] =	ssyncset.done $0x0  }
0xb3: {  	[sflag:s11] =	ssyncadd.s32 $0xFFFFC800  }
0xb4: {  	_ =	swait.ge [sflag:s11], $0x3800  }
0xb5: {  	[sflag:s11] =	ssyncset.done $0x0  }
0xb6: {  	[sflag:s11] =	ssyncadd.s32 $0xFFFFC800  }
0xb7: {  	_ =	swait.ge [sflag:s11], $0x3800  }
0xb8: {  	[sflag:s11] =	ssyncset.done $0x0  }
0xb9: {  	[sflag:s11] =	ssyncadd.s32 $0xFFFFC800  }
0xba: {  	_ =	swait.ge [sflag:s11], $0x3800  }
0xbb: {  	[sflag:s11] =	ssyncset.done $0x0  }
0xbc: {  	[sflag:s11] =	ssyncadd.s32 $0xFFFFC800  }
0xbd: {  	_ =	swait.ge [sflag:s11], $0x3800  }
0xbe: {  	[sflag:s11] =	ssyncset.done $0x0  }
0xbf: {  	[sflag:s11] =	ssyncadd.s32 $0xFFFFC800  }
0xc0: {  	_ =	swait.ge [sflag:s11], $0x3800  }
0xc1: {  	s1 =	sadd.s32 $0xFFFFFFFF, s1;
	[sflag:s11] =	ssyncset.done $0x0  }
0xc2: {  	p1 =	sne.s32 s1, $0x0;
	[sflag:s11] =	ssyncadd.s32 $0xFFFFC800  }
.Ltmp1:
0xc3: {  	_ =	swait.ge [sflag:s11], $0x3800;
	(pc) =	sbr.rel @p1 .LBB2_1-.Ltmp1, $4  }
0xc4: {  	[sflag:s11] =	ssyncset.done $0x0  }
0xc5: {  	[sflag:s11] =	ssyncadd.s32 $0xFFFFC800  }
0xc6: {  	_ =	swait.ge [sflag:s11], $0x3800  }
0xc7: {  	[sflag:s11] =	ssyncset.done $0x0  }
.LBB2_2:
0xc8: {  	[sflag:s11] =	ssyncadd.s32 $0xFFFFC800  }
0xc9: {  	_ =	swait.ge [sflag:s11], $0x3800  }
0xca: {  	[sflag:s11] =	ssyncset.done $0x0  }
0xcb: {  	[sflag:s11] =	ssyncadd.s32 $0xFFFFC800  }
0xcc: {  	_ =	swait.ge [sflag:s11], $0x3800  }
0xcd: {  	[sflag:s11] =	ssyncset.done $0x0  }
0xce: {  	[sflag:s11] =	ssyncadd.s32 $0xFFFFC800  }
0xcf: {  	_ =	sfence.sel $0x180000  }
0xd0: {  	[bflag:$0x0] =	sbarrier.arrive $0xFFFF  }
0xd1: {  	_ =	strace $0x90000047  }
0xd2: {  	s0 =	stileid.u32;
	[bflag:$0x2] =	sbarrier.arrive $0xFFFF  }
0xd3: {  	p0 =	sne.s32 s0, $0x0;
	s0 =	rddreg [dreg:$0x4]  }
0xd4: {  	s0 =	sadd.s32 @!p0 $0x100000, s0  }
0xd5: {  	[sflag:s0] =	ssyncadd.tile.s32 @!p0 $0x1;
	_ =	shalt  }
.Lfunc_end2:
_tile_overlayer_lowered:
.L_overlay_start_2:
0xd6: {  	(tag) =	ssettag $0x2  }
0xd7: {  	s0 =	rddreg [dreg:$0x0];
	s2 =	stileid.u32  }
0xd8: {  	s1 =	rddreg [dreg:$0x1];
	p0 =	sne.s32 s2, $0x0  }
0xd9: {  	s3 =	rddreg [dreg:$0x2];
	[bflag:$0x3] =	sbarrier.arrive $0xFFFF;
	s2 =	simm.s32 @!p0 $0x1C03  }
0xda: {  	[timem:s3], [sflag:s2] =	dma.local @!p0 [hbm:s0], s1  }
0xdb: {  	s0 =	simm.s32 @!p0 $0x3  }
0xdc: {  	_ =	swait.ge @!p0 [sflag:s0], s1  }
0xdd: {  	s1 =	ssub.s32 @!p0 $0x0, s1;
	[sflag:s0] =	ssyncset.done @!p0 $0x0  }
0xde: {  	[sflag:s0] =	ssyncadd.s32 @!p0 s1  }
0xdf: {  	[bflag:$0x3] =	sbarrier.arrive $0xFFFF  }
0xe0: {  	_ =	shalt  }

</sc_bundles>
